<compile_context>
chip_gen: v7x
topology: tpu7x:2x2x1
jax: 0.10.2.dev20260603
libtpu: 0.0.44.dev20260713+nightly
codegen_flags: <defaults>
</compile_context>

<pallas_src>
import functools

import jax
import jax.numpy as jnp
from jax import lax
from jax.experimental import pallas as pl
from jax.experimental.pallas import tpu as pltpu
from jax.experimental.pallas import tpu_sc as plsc

_NUM_CLASSES = 100000
_D = 512
_B = 4096
_LANES = 16
_NC = 2
_NS = 16
_NW = _NC * _NS
_BPW = _B // _NW
_CH = 16
_NCHUNK = _BPW // _CH
_NBUF = 3
_NACC = 4
_UNROLL = 4
_VPR = _D // _LANES

_mesh = plsc.VectorSubcoreMesh(core_axis_name="c", subcore_axis_name="s")


@functools.partial(
    pl.kernel,
    mesh=_mesh,
    out_type=jax.ShapeDtypeStruct((_NW, _LANES), jnp.float32),
    scratch_types=[
        pltpu.VMEM((_BPW,), jnp.int32),
        pltpu.VMEM((_NBUF * _CH, _D), jnp.float32),
        pltpu.VMEM((_BPW, _D), jnp.float32),
        pltpu.VMEM((_LANES,), jnp.float32),
        pltpu.SemaphoreType.DMA,
        pltpu.SemaphoreType.DMA,
        pltpu.SemaphoreType.DMA,
        pltpu.SemaphoreType.DMA,
    ],
)
def _center_loss_partials(features_hbm, labels_hbm, centers_hbm, out_hbm,
                          idx_v, cbuf, fbuf, accv, gsem0, gsem1, gsem2, fsem):
    wid = lax.axis_index("s") * _NC + lax.axis_index("c")
    base = pl.multiple_of(wid * _BPW, _BPW)
    gsems = (gsem0, gsem1, gsem2)

    fcp = pltpu.async_copy(
        features_hbm.at[pl.ds(base, _BPW)], fbuf, fsem)

    pltpu.sync_copy(labels_hbm.at[pl.ds(base, _BPW)], idx_v)

    def start(c):
        slot = c % _NBUF
        return pltpu.async_copy(centers_hbm.at[idx_v.at[pl.ds(c * _CH, _CH)]],
                                cbuf.at[pl.ds(slot * _CH, _CH)], gsems[slot])

    pend = [None] * _NBUF
    for c in range(_NBUF - 1):
        pend[c] = start(c)

    fcp.wait()

    accs = tuple(jnp.zeros((_LANES,), jnp.float32) for _ in range(_NACC))
    for c in range(_NCHUNK):
        slot = c % _NBUF
        if c + _NBUF - 1 < _NCHUNK:
            pend[(c + _NBUF - 1) % _NBUF] = start(c + _NBUF - 1)
        pend[slot].wait()

        def row_body(i, a, slot=slot, c=c):
            def grp_body(j, aa, i=i, slot=slot, c=c):
                aa = list(aa)
                for u in range(_UNROLL):
                    coff = pl.multiple_of((j * _UNROLL + u) * _LANES, _LANES)
                    f = fbuf[c * _CH + i, pl.ds(coff, _LANES)]
                    cq = cbuf[slot * _CH + i, pl.ds(coff, _LANES)]
                    d = f - cq
                    aa[u] = aa[u] + d * d
                return tuple(aa)

            return lax.fori_loop(0, _VPR // _UNROLL, grp_body, a)

        accs = lax.fori_loop(0, _CH, row_body, accs)

    total = accs[0]
    for a in accs[1:]:
        total = total + a
    accv[...] = total * jnp.float32(1.0 / _B)
    pltpu.sync_copy(accv, out_hbm.at[wid])


def kernel(features, labels, centers):
    partials = _center_loss_partials(features, labels.astype(jnp.int32),
                                     centers)
    return jnp.sum(partials)

# --- scband reference (transcript-rebuilt; emitter-appended) ---
"""Pipeline reference for scband-center-loss-28406913695773 (READ-ONLY COPY).

The authoritative reference and input builder live on the scoring server;
editing this copy changes nothing except your own understanding.
"""

import jax, jax.numpy as jnp
import numpy as np

NUM_CLASSES = 100000
FEAT_DIM = 512
BATCH = 4096

def setup_inputs(seed: int = 0) -> dict:
    key = jax.random.key(seed)
    k1, k2, k3 = jax.random.split(key, 3)
    features = jax.random.normal(k1, (BATCH, FEAT_DIM), dtype=jnp.float32)
    labels = jax.random.randint(k2, (BATCH,), 0, NUM_CLASSES, dtype=jnp.int64)
    centers = jax.random.normal(k3, (NUM_CLASSES, FEAT_DIM), dtype=jnp.float32)
    return {"features": features, "labels": labels, "centers": centers}

def reference(features, labels, centers):
    # centers_batch = centers.index_select(0, labels)
    centers_batch = jnp.take(centers, labels, axis=0)
    diff = features - centers_batch
    loss = jnp.sum(diff ** 2, axis=1)
    return jnp.mean(loss)

if __name__ == "__main__":
    import jax
    _d = setup_inputs()
    print(jax.jit(kernel)(*tuple(_d.values())))

</pallas_src>

<mosaic_0001>
#map = affine_map<(d0, d1) -> (0, 0)>
#map1 = affine_map<(d0, d1) -> (0)>
module attributes {stable_mosaic.version = 14 : i64} {
  func.func @_center_loss_partials(%arg0: i32, %arg1: i32, %arg2: memref<4096x512xf32, #tpu.memory_space<hbm>>, %arg3: memref<4096xi32, #tpu.memory_space<hbm>>, %arg4: memref<100000x512xf32, #tpu.memory_space<hbm>>, %arg5: memref<32x16xf32, #tpu.memory_space<hbm>>, %arg6: memref<128xi32, #tpu.memory_space<vmem>>, %arg7: memref<48x512xf32, #tpu.memory_space<vmem>>, %arg8: memref<128x512xf32, #tpu.memory_space<vmem>>, %arg9: memref<16xf32, #tpu.memory_space<vmem>>, %arg10: memref<!tpu.dma_semaphore, #tpu.memory_space<semaphore_mem>>, %arg11: memref<!tpu.dma_semaphore, #tpu.memory_space<semaphore_mem>>, %arg12: memref<!tpu.dma_semaphore, #tpu.memory_space<semaphore_mem>>, %arg13: memref<!tpu.dma_semaphore, #tpu.memory_space<semaphore_mem>>) attributes {dimension_semantics = [#tpu.dimension_semantics<core_parallel>, #tpu.dimension_semantics<subcore_parallel>], iteration_bounds = array<i64: 2, 16>, scalar_prefetch = 0 : i64, scratch_operands = 8 : i64, tpu.core_type = #tpu.core_type<sc_vector_subcore>, window_params = [{transform_indices = #map}, {transform_indices = #map1}, {transform_indices = #map}, {transform_indices = #map}]} {
    %mul3A = arith.constant 2 : i32
    %mul3A_0 = arith.muli %arg1, %mul3A : i32
    %add3A = arith.addi %mul3A_0, %arg0 : i32
    %mul3A_1 = arith.constant 128 : i32
    %mul3A_2 = arith.muli %add3A, %mul3A_1 : i32
    %multiple_of3A = tpu.assume_multiple %mul3A_2, 128 : i32
    %dma_start3A = arith.constant 0 : i32
    %dma_start3A_3 = tpu.memref_slice %arg2[%multiple_of3A, %dma_start3A] : memref<4096x512xf32, #tpu.memory_space<hbm>> -> memref<128x512xf32, #tpu.memory_space<hbm>>
    %dma_start3A_4 = arith.constant 0 : i32
    %dma_start3A_5 = tpu.memref_slice %arg2[%multiple_of3A, %dma_start3A_4] : memref<4096x512xf32, #tpu.memory_space<hbm>> -> memref<128x512xf32, #tpu.memory_space<hbm>>
    tpu.enqueue_dma source(%dma_start3A_5 : memref<128x512xf32, #tpu.memory_space<hbm>>) target(%arg8 : memref<128x512xf32, #tpu.memory_space<vmem>>) target_semaphore(%arg13 : memref<!tpu.dma_semaphore, #tpu.memory_space<semaphore_mem>>)
    "tpu.region"() ({
      %run_scoped3A = tpu.sem_alloc : memref<!tpu.dma_semaphore, #tpu.memory_space<semaphore_mem>>
      %dma_start3A_200 = tpu.memref_slice %arg3[%multiple_of3A] : memref<4096xi32, #tpu.memory_space<hbm>> -> memref<128xi32, #tpu.memory_space<hbm>>
      %dma_start3A_201 = tpu.memref_slice %arg3[%multiple_of3A] : memref<4096xi32, #tpu.memory_space<hbm>> -> memref<128xi32, #tpu.memory_space<hbm>>
      tpu.enqueue_dma source(%dma_start3A_201 : memref<128xi32, #tpu.memory_space<hbm>>) target(%arg6 : memref<128xi32, #tpu.memory_space<vmem>>) target_semaphore(%run_scoped3A : memref<!tpu.dma_semaphore, #tpu.memory_space<semaphore_mem>>)
      %dma_wait3A_202 = tpu.memref_slice %arg3[%multiple_of3A] : memref<4096xi32, #tpu.memory_space<hbm>> -> memref<128xi32, #tpu.memory_space<hbm>>
      %dma_wait3A_203 = tpu.memref_slice %arg3[%multiple_of3A] : memref<4096xi32, #tpu.memory_space<hbm>> -> memref<128xi32, #tpu.memory_space<hbm>>
      tpu.wait_dma2 semaphore(%run_scoped3A : memref<!tpu.dma_semaphore, #tpu.memory_space<semaphore_mem>>) src(%dma_wait3A_203 : memref<128xi32, #tpu.memory_space<hbm>>) dst(%arg6 : memref<128xi32, #tpu.memory_space<vmem>>)
      tpu.yield
    }) : () -> ()
    %dma_start3A_6 = arith.constant 0 : i32
    %dma_start3A_7 = arith.constant 0 : i32
    %dma_start3A_8 = tpu.memref_slice %arg7[%dma_start3A_6, %dma_start3A_7] : memref<48x512xf32, #tpu.memory_space<vmem>> -> memref<16x512xf32, #tpu.memory_space<vmem>>
    %dma_start3A_9 = arith.constant 0 : i32
    %dma_start3A_10 = tpu.memref_slice %arg6[%dma_start3A_9] : memref<128xi32, #tpu.memory_space<vmem>> -> memref<16xi32, #tpu.memory_space<vmem>>
    %dma_start3A_11 = arith.constant 0 : i32
    %dma_start3A_12 = arith.constant 0 : i32
    %dma_start3A_13 = tpu.memref_slice %arg4[%dma_start3A_11, %dma_start3A_12] : memref<100000x512xf32, #tpu.memory_space<hbm>> -> memref<100000x512xf32, #tpu.memory_space<hbm>>
    tpu.enqueue_indirect_dma source(%dma_start3A_13 : memref<100000x512xf32, #tpu.memory_space<hbm>>) target(%dma_start3A_8 : memref<16x512xf32, #tpu.memory_space<vmem>>) offsets(%dma_start3A_10 : memref<16xi32, #tpu.memory_space<vmem>>) semaphore(%arg10 : memref<!tpu.dma_semaphore, #tpu.memory_space<semaphore_mem>>)
    %dma_start3A_14 = arith.constant 16 : i32
    %dma_start3A_15 = arith.constant 0 : i32
    %dma_start3A_16 = tpu.memref_slice %arg7[%dma_start3A_14, %dma_start3A_15] : memref<48x512xf32, #tpu.memory_space<vmem>> -> memref<16x512xf32, #tpu.memory_space<vmem>>
    %dma_start3A_17 = arith.constant 16 : i32
    %dma_start3A_18 = tpu.memref_slice %arg6[%dma_start3A_17] : memref<128xi32, #tpu.memory_space<vmem>> -> memref<16xi32, #tpu.memory_space<vmem>>
    %dma_start3A_19 = arith.constant 0 : i32
    %dma_start3A_20 = arith.constant 0 : i32
    %dma_start3A_21 = tpu.memref_slice %arg4[%dma_start3A_19, %dma_start3A_20] : memref<100000x512xf32, #tpu.memory_space<hbm>> -> memref<100000x512xf32, #tpu.memory_space<hbm>>
    tpu.enqueue_indirect_dma source(%dma_start3A_21 : memref<100000x512xf32, #tpu.memory_space<hbm>>) target(%dma_start3A_16 : memref<16x512xf32, #tpu.memory_space<vmem>>) offsets(%dma_start3A_18 : memref<16xi32, #tpu.memory_space<vmem>>) semaphore(%arg11 : memref<!tpu.dma_semaphore, #tpu.memory_space<semaphore_mem>>)
    %dma_wait3A = arith.constant 0 : i32
    %dma_wait3A_22 = tpu.memref_slice %arg2[%multiple_of3A, %dma_wait3A] : memref<4096x512xf32, #tpu.memory_space<hbm>> -> memref<128x512xf32, #tpu.memory_space<hbm>>
    %dma_wait3A_23 = arith.constant 0 : i32
    %dma_wait3A_24 = tpu.memref_slice %arg2[%multiple_of3A, %dma_wait3A_23] : memref<4096x512xf32, #tpu.memory_space<hbm>> -> memref<128x512xf32, #tpu.memory_space<hbm>>
    tpu.wait_dma2 semaphore(%arg13 : memref<!tpu.dma_semaphore, #tpu.memory_space<semaphore_mem>>) src(%dma_wait3A_24 : memref<128x512xf32, #tpu.memory_space<hbm>>) dst(%arg8 : memref<128x512xf32, #tpu.memory_space<vmem>>)
    %broadcast_in_dim3A = arith.constant 0.000000e+00 : f32
    %broadcast_in_dim3A_25 = vector.broadcast %broadcast_in_dim3A : f32 to vector<16xf32>
    %broadcast_in_dim3A_26 = arith.constant 0.000000e+00 : f32
    %broadcast_in_dim3A_27 = vector.broadcast %broadcast_in_dim3A_26 : f32 to vector<16xf32>
    %broadcast_in_dim3A_28 = arith.constant 0.000000e+00 : f32
    %broadcast_in_dim3A_29 = vector.broadcast %broadcast_in_dim3A_28 : f32 to vector<16xf32>
    %broadcast_in_dim3A_30 = arith.constant 0.000000e+00 : f32
    %broadcast_in_dim3A_31 = vector.broadcast %broadcast_in_dim3A_30 : f32 to vector<16xf32>
    %dma_start3A_32 = arith.constant 32 : i32
    %dma_start3A_33 = arith.constant 0 : i32
    %dma_start3A_34 = tpu.memref_slice %arg7[%dma_start3A_32, %dma_start3A_33] : memref<48x512xf32, #tpu.memory_space<vmem>> -> memref<16x512xf32, #tpu.memory_space<vmem>>
    %dma_start3A_35 = arith.constant 32 : i32
    %dma_start3A_36 = tpu.memref_slice %arg6[%dma_start3A_35] : memref<128xi32, #tpu.memory_space<vmem>> -> memref<16xi32, #tpu.memory_space<vmem>>
    %dma_start3A_37 = arith.constant 0 : i32
    %dma_start3A_38 = arith.constant 0 : i32
    %dma_start3A_39 = tpu.memref_slice %arg4[%dma_start3A_37, %dma_start3A_38] : memref<100000x512xf32, #tpu.memory_space<hbm>> -> memref<100000x512xf32, #tpu.memory_space<hbm>>
    tpu.enqueue_indirect_dma source(%dma_start3A_39 : memref<100000x512xf32, #tpu.memory_space<hbm>>) target(%dma_start3A_34 : memref<16x512xf32, #tpu.memory_space<vmem>>) offsets(%dma_start3A_36 : memref<16xi32, #tpu.memory_space<vmem>>) semaphore(%arg12 : memref<!tpu.dma_semaphore, #tpu.memory_space<semaphore_mem>>)
    %dma_wait3A_40 = arith.constant 0 : i32
    %dma_wait3A_41 = arith.constant 0 : i32
    %dma_wait3A_42 = tpu.memref_slice %arg7[%dma_wait3A_40, %dma_wait3A_41] : memref<48x512xf32, #tpu.memory_space<vmem>> -> memref<16x512xf32, #tpu.memory_space<vmem>>
    %dma_wait3A_43 = arith.constant 0 : i32
    %dma_wait3A_44 = tpu.memref_slice %arg6[%dma_wait3A_43] : memref<128xi32, #tpu.memory_space<vmem>> -> memref<16xi32, #tpu.memory_space<vmem>>
    %dma_wait3A_45 = arith.constant 0 : i32
    %dma_wait3A_46 = arith.constant 0 : i32
    %dma_wait3A_47 = tpu.memref_slice %arg4[%dma_wait3A_45, %dma_wait3A_46] : memref<100000x512xf32, #tpu.memory_space<hbm>> -> memref<100000x512xf32, #tpu.memory_space<hbm>>
    tpu.wait_indirect_dma semaphore(%arg10 : memref<!tpu.dma_semaphore, #tpu.memory_space<semaphore_mem>>) src(%dma_wait3A_47 : memref<100000x512xf32, #tpu.memory_space<hbm>>) dst(%dma_wait3A_42 : memref<16x512xf32, #tpu.memory_space<vmem>>)
    %scan3A = arith.constant 0 : i32
    %scan3A_48 = arith.constant 16 : i32
    %scan3A_49 = arith.addi %scan3A, %scan3A_48 : i32
    %scan3A_50 = arith.constant 1 : i32
    %scan3A_51:4 = scf.for %scan3A_200 = %scan3A to %scan3A_49 step %scan3A_50 iter_args(%scan3A_201 = %broadcast_in_dim3A_25, %scan3A_202 = %broadcast_in_dim3A_27, %scan3A_203 = %broadcast_in_dim3A_29, %scan3A_204 = %broadcast_in_dim3A_31) -> (vector<16xf32>, vector<16xf32>, vector<16xf32>, vector<16xf32>)  : i32 {
      %scan3A_205 = arith.constant 0 : i32
      %scan3A_206 = arith.constant 8 : i32
      %scan3A_207 = arith.addi %scan3A_205, %scan3A_206 : i32
      %scan3A_208 = arith.constant 1 : i32
      %scan3A_209:4 = scf.for %scan3A_211 = %scan3A_205 to %scan3A_207 step %scan3A_208 iter_args(%scan3A_212 = %scan3A_201, %scan3A_213 = %scan3A_202, %scan3A_214 = %scan3A_203, %scan3A_215 = %scan3A_204) -> (vector<16xf32>, vector<16xf32>, vector<16xf32>, vector<16xf32>)  : i32 {
        %mul3A_216 = arith.constant 4 : i32
        %mul3A_217 = arith.muli %scan3A_211, %mul3A_216 : i32
        %add3A_218 = arith.constant 0 : i32
        %add3A_219 = arith.addi %mul3A_217, %add3A_218 : i32
        %mul3A_220 = arith.constant 16 : i32
        %mul3A_221 = arith.muli %add3A_219, %mul3A_220 : i32
        %multiple_of3A_222 = tpu.assume_multiple %mul3A_221, 16 : i32
        %add3A_223 = arith.constant 0 : i32
        %add3A_224 = arith.addi %add3A_223, %scan3A_200 : i32
        %get3A = arith.index_cast %add3A_224 : i32 to index
        %get3A_225 = arith.index_cast %multiple_of3A_222 : i32 to index
        %get3A_226 = tpu.vector_load %arg8[%get3A, %get3A_225] {strides = array<i32>} : memref<128x512xf32, #tpu.memory_space<vmem>>, vector<1x16xf32>,
        %get3A_227 = vector.shape_cast %get3A_226 : vector<1x16xf32> to vector<16xf32>
        %add3A_228 = arith.constant 0 : i32
        %add3A_229 = arith.addi %add3A_228, %scan3A_200 : i32
        %get3A_230 = arith.index_cast %add3A_229 : i32 to index
        %get3A_231 = arith.index_cast %multiple_of3A_222 : i32 to index
        %get3A_232 = tpu.vector_load %arg7[%get3A_230, %get3A_231] {strides = array<i32>} : memref<48x512xf32, #tpu.memory_space<vmem>>, vector<1x16xf32>,
        %get3A_233 = vector.shape_cast %get3A_232 : vector<1x16xf32> to vector<16xf32>
        %sub3A = arith.subf %get3A_227, %get3A_233 : vector<16xf32>
        %mul3A_234 = arith.mulf %sub3A, %sub3A : vector<16xf32>
        %add3A_235 = arith.addf %scan3A_212, %mul3A_234 : vector<16xf32>
        %mul3A_236 = arith.constant 4 : i32
        %mul3A_237 = arith.muli %scan3A_211, %mul3A_236 : i32
        %add3A_238 = arith.constant 1 : i32
        %add3A_239 = arith.addi %mul3A_237, %add3A_238 : i32
        %mul3A_240 = arith.constant 16 : i32
        %mul3A_241 = arith.muli %add3A_239, %mul3A_240 : i32
        %multiple_of3A_242 = tpu.assume_multiple %mul3A_241, 16 : i32
        %add3A_243 = arith.constant 0 : i32
        %add3A_244 = arith.addi %add3A_243, %scan3A_200 : i32
        %get3A_245 = arith.index_cast %add3A_244 : i32 to index
        %get3A_246 = arith.index_cast %multiple_of3A_242 : i32 to index
        %get3A_247 = tpu.vector_load %arg8[%get3A_245, %get3A_246] {strides = array<i32>} : memref<128x512xf32, #tpu.memory_space<vmem>>, vector<1x16xf32>,
        %get3A_248 = vector.shape_cast %get3A_247 : vector<1x16xf32> to vector<16xf32>
        %add3A_249 = arith.constant 0 : i32
        %add3A_250 = arith.addi %add3A_249, %scan3A_200 : i32
        %get3A_251 = arith.index_cast %add3A_250 : i32 to index
        %get3A_252 = arith.index_cast %multiple_of3A_242 : i32 to index
        %get3A_253 = tpu.vector_load %arg7[%get3A_251, %get3A_252] {strides = array<i32>} : memref<48x512xf32, #tpu.memory_space<vmem>>, vector<1x16xf32>,
        %get3A_254 = vector.shape_cast %get3A_253 : vector<1x16xf32> to vector<16xf32>
        %sub3A_255 = arith.subf %get3A_248, %get3A_254 : vector<16xf32>
        %mul3A_256 = arith.mulf %sub3A_255, %sub3A_255 : vector<16xf32>
        %add3A_257 = arith.addf %scan3A_213, %mul3A_256 : vector<16xf32>
        %mul3A_258 = arith.constant 4 : i32
        %mul3A_259 = arith.muli %scan3A_211, %mul3A_258 : i32
        %add3A_260 = arith.constant 2 : i32
        %add3A_261 = arith.addi %mul3A_259, %add3A_260 : i32
        %mul3A_262 = arith.constant 16 : i32
        %mul3A_263 = arith.muli %add3A_261, %mul3A_262 : i32
        %multiple_of3A_264 = tpu.assume_multiple %mul3A_263, 16 : i32
        %add3A_265 = arith.constant 0 : i32
        %add3A_266 = arith.addi %add3A_265, %scan3A_200 : i32
        %get3A_267 = arith.index_cast %add3A_266 : i32 to index
        %get3A_268 = arith.index_cast %multiple_of3A_264 : i32 to index
        %get3A_269 = tpu.vector_load %arg8[%get3A_267, %get3A_268] {strides = array<i32>} : memref<128x512xf32, #tpu.memory_space<vmem>>, vector<1x16xf32>,
        %get3A_270 = vector.shape_cast %get3A_269 : vector<1x16xf32> to vector<16xf32>
        %add3A_271 = arith.constant 0 : i32
        %add3A_272 = arith.addi %add3A_271, %scan3A_200 : i32
        %get3A_273 = arith.index_cast %add3A_272 : i32 to index
        %get3A_274 = arith.index_cast %multiple_of3A_264 : i32 to index
        %get3A_275 = tpu.vector_load %arg7[%get3A_273, %get3A_274] {strides = array<i32>} : memref<48x512xf32, #tpu.memory_space<vmem>>, vector<1x16xf32>,
        %get3A_276 = vector.shape_cast %get3A_275 : vector<1x16xf32> to vector<16xf32>
        %sub3A_277 = arith.subf %get3A_270, %get3A_276 : vector<16xf32>
        %mul3A_278 = arith.mulf %sub3A_277, %sub3A_277 : vector<16xf32>
        %add3A_279 = arith.addf %scan3A_214, %mul3A_278 : vector<16xf32>
        %mul3A_280 = arith.constant 4 : i32
        %mul3A_281 = arith.muli %scan3A_211, %mul3A_280 : i32
        %add3A_282 = arith.constant 3 : i32
        %add3A_283 = arith.addi %mul3A_281, %add3A_282 : i32
        %mul3A_284 = arith.constant 16 : i32
        %mul3A_285 = arith.muli %add3A_283, %mul3A_284 : i32
        %multiple_of3A_286 = tpu.assume_multiple %mul3A_285, 16 : i32
        %add3A_287 = arith.constant 0 : i32
        %add3A_288 = arith.addi %add3A_287, %scan3A_200 : i32
        %get3A_289 = arith.index_cast %add3A_288 : i32 to index
        %get3A_290 = arith.index_cast %multiple_of3A_286 : i32 to index
        %get3A_291 = tpu.vector_load %arg8[%get3A_289, %get3A_290] {strides = array<i32>} : memref<128x512xf32, #tpu.memory_space<vmem>>, vector<1x16xf32>,
        %get3A_292 = vector.shape_cast %get3A_291 : vector<1x16xf32> to vector<16xf32>
        %add3A_293 = arith.constant 0 : i32
        %add3A_294 = arith.addi %add3A_293, %scan3A_200 : i32
        %get3A_295 = arith.index_cast %add3A_294 : i32 to index
        %get3A_296 = arith.index_cast %multiple_of3A_286 : i32 to index
        %get3A_297 = tpu.vector_load %arg7[%get3A_295, %get3A_296] {strides = array<i32>} : memref<48x512xf32, #tpu.memory_space<vmem>>, vector<1x16xf32>,
        %get3A_298 = vector.shape_cast %get3A_297 : vector<1x16xf32> to vector<16xf32>
        %sub3A_299 = arith.subf %get3A_292, %get3A_298 : vector<16xf32>
        %mul3A_300 = arith.mulf %sub3A_299, %sub3A_299 : vector<16xf32>
        %add3A_301 = arith.addf %scan3A_215, %mul3A_300 : vector<16xf32>
        scf.yield %add3A_235, %add3A_257, %add3A_279, %add3A_301 : vector<16xf32>, vector<16xf32>, vector<16xf32>, vector<16xf32>
      }
      %scan3A_210 = arith.constant 8 : i32
      scf.yield %scan3A_209#0, %scan3A_209#1, %scan3A_209#2, %scan3A_209#3 : vector<16xf32>, vector<16xf32>, vector<16xf32>, vector<16xf32>
    }
    %scan3A_52 = arith.constant 16 : i32
    %dma_start3A_53 = arith.constant 0 : i32
    %dma_start3A_54 = arith.constant 0 : i32
    %dma_start3A_55 = tpu.memref_slice %arg7[%dma_start3A_53, %dma_start3A_54] : memref<48x512xf32, #tpu.memory_space<vmem>> -> memref<16x512xf32, #tpu.memory_space<vmem>>
    %dma_start3A_56 = arith.constant 48 : i32
    %dma_start3A_57 = tpu.memref_slice %arg6[%dma_start3A_56] : memref<128xi32, #tpu.memory_space<vmem>> -> memref<16xi32, #tpu.memory_space<vmem>>
    %dma_start3A_58 = arith.constant 0 : i32
    %dma_start3A_59 = arith.constant 0 : i32
    %dma_start3A_60 = tpu.memref_slice %arg4[%dma_start3A_58, %dma_start3A_59] : memref<100000x512xf32, #tpu.memory_space<hbm>> -> memref<100000x512xf32, #tpu.memory_space<hbm>>
    tpu.enqueue_indirect_dma source(%dma_start3A_60 : memref<100000x512xf32, #tpu.memory_space<hbm>>) target(%dma_start3A_55 : memref<16x512xf32, #tpu.memory_space<vmem>>) offsets(%dma_start3A_57 : memref<16xi32, #tpu.memory_space<vmem>>) semaphore(%arg10 : memref<!tpu.dma_semaphore, #tpu.memory_space<semaphore_mem>>)
    %dma_wait3A_61 = arith.constant 16 : i32
    %dma_wait3A_62 = arith.constant 0 : i32
    %dma_wait3A_63 = tpu.memref_slice %arg7[%dma_wait3A_61, %dma_wait3A_62] : memref<48x512xf32, #tpu.memory_space<vmem>> -> memref<16x512xf32, #tpu.memory_space<vmem>>
    %dma_wait3A_64 = arith.constant 16 : i32
    %dma_wait3A_65 = tpu.memref_slice %arg6[%dma_wait3A_64] : memref<128xi32, #tpu.memory_space<vmem>> -> memref<16xi32, #tpu.memory_space<vmem>>
    %dma_wait3A_66 = arith.constant 0 : i32
    %dma_wait3A_67 = arith.constant 0 : i32
    %dma_wait3A_68 = tpu.memref_slice %arg4[%dma_wait3A_66, %dma_wait3A_67] : memref<100000x512xf32, #tpu.memory_space<hbm>> -> memref<100000x512xf32, #tpu.memory_space<hbm>>
    tpu.wait_indirect_dma semaphore(%arg11 : memref<!tpu.dma_semaphore, #tpu.memory_space<semaphore_mem>>) src(%dma_wait3A_68 : memref<100000x512xf32, #tpu.memory_space<hbm>>) dst(%dma_wait3A_63 : memref<16x512xf32, #tpu.memory_space<vmem>>)
    %scan3A_69 = arith.constant 0 : i32
    %scan3A_70 = arith.constant 16 : i32
    %scan3A_71 = arith.addi %scan3A_69, %scan3A_70 : i32
    %scan3A_72 = arith.constant 1 : i32
    %scan3A_73:4 = scf.for %scan3A_200 = %scan3A_69 to %scan3A_71 step %scan3A_72 iter_args(%scan3A_201 = %scan3A_51#0, %scan3A_202 = %scan3A_51#1, %scan3A_203 = %scan3A_51#2, %scan3A_204 = %scan3A_51#3) -> (vector<16xf32>, vector<16xf32>, vector<16xf32>, vector<16xf32>)  : i32 {
      %scan3A_205 = arith.constant 0 : i32
      %scan3A_206 = arith.constant 8 : i32
      %scan3A_207 = arith.addi %scan3A_205, %scan3A_206 : i32
      %scan3A_208 = arith.constant 1 : i32
      %scan3A_209:4 = scf.for %scan3A_211 = %scan3A_205 to %scan3A_207 step %scan3A_208 iter_args(%scan3A_212 = %scan3A_201, %scan3A_213 = %scan3A_202, %scan3A_214 = %scan3A_203, %scan3A_215 = %scan3A_204) -> (vector<16xf32>, vector<16xf32>, vector<16xf32>, vector<16xf32>)  : i32 {
        %mul3A_216 = arith.constant 4 : i32
        %mul3A_217 = arith.muli %scan3A_211, %mul3A_216 : i32
        %add3A_218 = arith.constant 0 : i32
        %add3A_219 = arith.addi %mul3A_217, %add3A_218 : i32
        %mul3A_220 = arith.constant 16 : i32
        %mul3A_221 = arith.muli %add3A_219, %mul3A_220 : i32
        %multiple_of3A_222 = tpu.assume_multiple %mul3A_221, 16 : i32
        %add3A_223 = arith.constant 16 : i32
        %add3A_224 = arith.addi %add3A_223, %scan3A_200 : i32
        %get3A = arith.index_cast %add3A_224 : i32 to index
        %get3A_225 = arith.index_cast %multiple_of3A_222 : i32 to index
        %get3A_226 = tpu.vector_load %arg8[%get3A, %get3A_225] {strides = array<i32>} : memref<128x512xf32, #tpu.memory_space<vmem>>, vector<1x16xf32>,
        %get3A_227 = vector.shape_cast %get3A_226 : vector<1x16xf32> to vector<16xf32>
        %add3A_228 = arith.constant 16 : i32
        %add3A_229 = arith.addi %add3A_228, %scan3A_200 : i32
        %get3A_230 = arith.index_cast %add3A_229 : i32 to index
        %get3A_231 = arith.index_cast %multiple_of3A_222 : i32 to index
        %get3A_232 = tpu.vector_load %arg7[%get3A_230, %get3A_231] {strides = array<i32>} : memref<48x512xf32, #tpu.memory_space<vmem>>, vector<1x16xf32>,
        %get3A_233 = vector.shape_cast %get3A_232 : vector<1x16xf32> to vector<16xf32>
        %sub3A = arith.subf %get3A_227, %get3A_233 : vector<16xf32>
        %mul3A_234 = arith.mulf %sub3A, %sub3A : vector<16xf32>
        %add3A_235 = arith.addf %scan3A_212, %mul3A_234 : vector<16xf32>
        %mul3A_236 = arith.constant 4 : i32
        %mul3A_237 = arith.muli %scan3A_211, %mul3A_236 : i32
        %add3A_238 = arith.constant 1 : i32
        %add3A_239 = arith.addi %mul3A_237, %add3A_238 : i32
        %mul3A_240 = arith.constant 16 : i32
        %mul3A_241 = arith.muli %add3A_239, %mul3A_240 : i32
        %multiple_of3A_242 = tpu.assume_multiple %mul3A_241, 16 : i32
        %add3A_243 = arith.constant 16 : i32
        %add3A_244 = arith.addi %add3A_243, %scan3A_200 : i32
        %get3A_245 = arith.index_cast %add3A_244 : i32 to index
        %get3A_246 = arith.index_cast %multiple_of3A_242 : i32 to index
        %get3A_247 = tpu.vector_load %arg8[%get3A_245, %get3A_246] {strides = array<i32>} : memref<128x512xf32, #tpu.memory_space<vmem>>, vector<1x16xf32>,
        %get3A_248 = vector.shape_cast %get3A_247 : vector<1x16xf32> to vector<16xf32>
        %add3A_249 = arith.constant 16 : i32
        %add3A_250 = arith.addi %add3A_249, %scan3A_200 : i32
        %get3A_251 = arith.index_cast %add3A_250 : i32 to index
        %get3A_252 = arith.index_cast %multiple_of3A_242 : i32 to index
        %get3A_253 = tpu.vector_load %arg7[%get3A_251, %get3A_252] {strides = array<i32>} : memref<48x512xf32, #tpu.memory_space<vmem>>, vector<1x16xf32>,
        %get3A_254 = vector.shape_cast %get3A_253 : vector<1x16xf32> to vector<16xf32>
        %sub3A_255 = arith.subf %get3A_248, %get3A_254 : vector<16xf32>
        %mul3A_256 = arith.mulf %sub3A_255, %sub3A_255 : vector<16xf32>
        %add3A_257 = arith.addf %scan3A_213, %mul3A_256 : vector<16xf32>
        %mul3A_258 = arith.constant 4 : i32
        %mul3A_259 = arith.muli %scan3A_211, %mul3A_258 : i32
        %add3A_260 = arith.constant 2 : i32
        %add3A_261 = arith.addi %mul3A_259, %add3A_260 : i32
        %mul3A_262 = arith.constant 16 : i32
        %mul3A_263 = arith.muli %add3A_261, %mul3A_262 : i32
        %multiple_of3A_264 = tpu.assume_multiple %mul3A_263, 16 : i32
        %add3A_265 = arith.constant 16 : i32
        %add3A_266 = arith.addi %add3A_265, %scan3A_200 : i32
        %get3A_267 = arith.index_cast %add3A_266 : i32 to index
        %get3A_268 = arith.index_cast %multiple_of3A_264 : i32 to index
        %get3A_269 = tpu.vector_load %arg8[%get3A_267, %get3A_268] {strides = array<i32>} : memref<128x512xf32, #tpu.memory_space<vmem>>, vector<1x16xf32>,
        %get3A_270 = vector.shape_cast %get3A_269 : vector<1x16xf32> to vector<16xf32>
        %add3A_271 = arith.constant 16 : i32
        %add3A_272 = arith.addi %add3A_271, %scan3A_200 : i32
        %get3A_273 = arith.index_cast %add3A_272 : i32 to index
        %get3A_274 = arith.index_cast %multiple_of3A_264 : i32 to index
        %get3A_275 = tpu.vector_load %arg7[%get3A_273, %get3A_274] {strides = array<i32>} : memref<48x512xf32, #tpu.memory_space<vmem>>, vector<1x16xf32>,
        %get3A_276 = vector.shape_cast %get3A_275 : vector<1x16xf32> to vector<16xf32>
        %sub3A_277 = arith.subf %get3A_270, %get3A_276 : vector<16xf32>
        %mul3A_278 = arith.mulf %sub3A_277, %sub3A_277 : vector<16xf32>
        %add3A_279 = arith.addf %scan3A_214, %mul3A_278 : vector<16xf32>
        %mul3A_280 = arith.constant 4 : i32
        %mul3A_281 = arith.muli %scan3A_211, %mul3A_280 : i32
        %add3A_282 = arith.constant 3 : i32
        %add3A_283 = arith.addi %mul3A_281, %add3A_282 : i32
        %mul3A_284 = arith.constant 16 : i32
        %mul3A_285 = arith.muli %add3A_283, %mul3A_284 : i32
        %multiple_of3A_286 = tpu.assume_multiple %mul3A_285, 16 : i32
        %add3A_287 = arith.constant 16 : i32
        %add3A_288 = arith.addi %add3A_287, %scan3A_200 : i32
        %get3A_289 = arith.index_cast %add3A_288 : i32 to index
        %get3A_290 = arith.index_cast %multiple_of3A_286 : i32 to index
        %get3A_291 = tpu.vector_load %arg8[%get3A_289, %get3A_290] {strides = array<i32>} : memref<128x512xf32, #tpu.memory_space<vmem>>, vector<1x16xf32>,
        %get3A_292 = vector.shape_cast %get3A_291 : vector<1x16xf32> to vector<16xf32>
        %add3A_293 = arith.constant 16 : i32
        %add3A_294 = arith.addi %add3A_293, %scan3A_200 : i32
        %get3A_295 = arith.index_cast %add3A_294 : i32 to index
        %get3A_296 = arith.index_cast %multiple_of3A_286 : i32 to index
        %get3A_297 = tpu.vector_load %arg7[%get3A_295, %get3A_296] {strides = array<i32>} : memref<48x512xf32, #tpu.memory_space<vmem>>, vector<1x16xf32>,
        %get3A_298 = vector.shape_cast %get3A_297 : vector<1x16xf32> to vector<16xf32>
        %sub3A_299 = arith.subf %get3A_292, %get3A_298 : vector<16xf32>
        %mul3A_300 = arith.mulf %sub3A_299, %sub3A_299 : vector<16xf32>
        %add3A_301 = arith.addf %scan3A_215, %mul3A_300 : vector<16xf32>
        scf.yield %add3A_235, %add3A_257, %add3A_279, %add3A_301 : vector<16xf32>, vector<16xf32>, vector<16xf32>, vector<16xf32>
      }
      %scan3A_210 = arith.constant 8 : i32
      scf.yield %scan3A_209#0, %scan3A_209#1, %scan3A_209#2, %scan3A_209#3 : vector<16xf32>, vector<16xf32>, vector<16xf32>, vector<16xf32>
    }
    %scan3A_74 = arith.constant 16 : i32
    %dma_start3A_75 = arith.constant 16 : i32
    %dma_start3A_76 = arith.constant 0 : i32
    %dma_start3A_77 = tpu.memref_slice %arg7[%dma_start3A_75, %dma_start3A_76] : memref<48x512xf32, #tpu.memory_space<vmem>> -> memref<16x512xf32, #tpu.memory_space<vmem>>
    %dma_start3A_78 = arith.constant 64 : i32
    %dma_start3A_79 = tpu.memref_slice %arg6[%dma_start3A_78] : memref<128xi32, #tpu.memory_space<vmem>> -> memref<16xi32, #tpu.memory_space<vmem>>
    %dma_start3A_80 = arith.constant 0 : i32
    %dma_start3A_81 = arith.constant 0 : i32
    %dma_start3A_82 = tpu.memref_slice %arg4[%dma_start3A_80, %dma_start3A_81] : memref<100000x512xf32, #tpu.memory_space<hbm>> -> memref<100000x512xf32, #tpu.memory_space<hbm>>
    tpu.enqueue_indirect_dma source(%dma_start3A_82 : memref<100000x512xf32, #tpu.memory_space<hbm>>) target(%dma_start3A_77 : memref<16x512xf32, #tpu.memory_space<vmem>>) offsets(%dma_start3A_79 : memref<16xi32, #tpu.memory_space<vmem>>) semaphore(%arg11 : memref<!tpu.dma_semaphore, #tpu.memory_space<semaphore_mem>>)
    %dma_wait3A_83 = arith.constant 32 : i32
    %dma_wait3A_84 = arith.constant 0 : i32
    %dma_wait3A_85 = tpu.memref_slice %arg7[%dma_wait3A_83, %dma_wait3A_84] : memref<48x512xf32, #tpu.memory_space<vmem>> -> memref<16x512xf32, #tpu.memory_space<vmem>>
    %dma_wait3A_86 = arith.constant 32 : i32
    %dma_wait3A_87 = tpu.memref_slice %arg6[%dma_wait3A_86] : memref<128xi32, #tpu.memory_space<vmem>> -> memref<16xi32, #tpu.memory_space<vmem>>
    %dma_wait3A_88 = arith.constant 0 : i32
    %dma_wait3A_89 = arith.constant 0 : i32
    %dma_wait3A_90 = tpu.memref_slice %arg4[%dma_wait3A_88, %dma_wait3A_89] : memref<100000x512xf32, #tpu.memory_space<hbm>> -> memref<100000x512xf32, #tpu.memory_space<hbm>>
    tpu.wait_indirect_dma semaphore(%arg12 : memref<!tpu.dma_semaphore, #tpu.memory_space<semaphore_mem>>) src(%dma_wait3A_90 : memref<100000x512xf32, #tpu.memory_space<hbm>>) dst(%dma_wait3A_85 : memref<16x512xf32, #tpu.memory_space<vmem>>)
    %scan3A_91 = arith.constant 0 : i32
    %scan3A_92 = arith.constant 16 : i32
    %scan3A_93 = arith.addi %scan3A_91, %scan3A_92 : i32
    %scan3A_94 = arith.constant 1 : i32
    %scan3A_95:4 = scf.for %scan3A_200 = %scan3A_91 to %scan3A_93 step %scan3A_94 iter_args(%scan3A_201 = %scan3A_73#0, %scan3A_202 = %scan3A_73#1, %scan3A_203 = %scan3A_73#2, %scan3A_204 = %scan3A_73#3) -> (vector<16xf32>, vector<16xf32>, vector<16xf32>, vector<16xf32>)  : i32 {
      %scan3A_205 = arith.constant 0 : i32
      %scan3A_206 = arith.constant 8 : i32
      %scan3A_207 = arith.addi %scan3A_205, %scan3A_206 : i32
      %scan3A_208 = arith.constant 1 : i32
      %scan3A_209:4 = scf.for %scan3A_211 = %scan3A_205 to %scan3A_207 step %scan3A_208 iter_args(%scan3A_212 = %scan3A_201, %scan3A_213 = %scan3A_202, %scan3A_214 = %scan3A_203, %scan3A_215 = %scan3A_204) -> (vector<16xf32>, vector<16xf32>, vector<16xf32>, vector<16xf32>)  : i32 {
        %mul3A_216 = arith.constant 4 : i32
        %mul3A_217 = arith.muli %scan3A_211, %mul3A_216 : i32
        %add3A_218 = arith.constant 0 : i32
        %add3A_219 = arith.addi %mul3A_217, %add3A_218 : i32
        %mul3A_220 = arith.constant 16 : i32
        %mul3A_221 = arith.muli %add3A_219, %mul3A_220 : i32
        %multiple_of3A_222 = tpu.assume_multiple %mul3A_221, 16 : i32
        %add3A_223 = arith.constant 32 : i32
        %add3A_224 = arith.addi %add3A_223, %scan3A_200 : i32
        %get3A = arith.index_cast %add3A_224 : i32 to index
        %get3A_225 = arith.index_cast %multiple_of3A_222 : i32 to index
        %get3A_226 = tpu.vector_load %arg8[%get3A, %get3A_225] {strides = array<i32>} : memref<128x512xf32, #tpu.memory_space<vmem>>, vector<1x16xf32>,
        %get3A_227 = vector.shape_cast %get3A_226 : vector<1x16xf32> to vector<16xf32>
        %add3A_228 = arith.constant 32 : i32
        %add3A_229 = arith.addi %add3A_228, %scan3A_200 : i32
        %get3A_230 = arith.index_cast %add3A_229 : i32 to index
        %get3A_231 = arith.index_cast %multiple_of3A_222 : i32 to index
        %get3A_232 = tpu.vector_load %arg7[%get3A_230, %get3A_231] {strides = array<i32>} : memref<48x512xf32, #tpu.memory_space<vmem>>, vector<1x16xf32>,
        %get3A_233 = vector.shape_cast %get3A_232 : vector<1x16xf32> to vector<16xf32>
        %sub3A = arith.subf %get3A_227, %get3A_233 : vector<16xf32>
        %mul3A_234 = arith.mulf %sub3A, %sub3A : vector<16xf32>
        %add3A_235 = arith.addf %scan3A_212, %mul3A_234 : vector<16xf32>
        %mul3A_236 = arith.constant 4 : i32
        %mul3A_237 = arith.muli %scan3A_211, %mul3A_236 : i32
        %add3A_238 = arith.constant 1 : i32
        %add3A_239 = arith.addi %mul3A_237, %add3A_238 : i32
        %mul3A_240 = arith.constant 16 : i32
        %mul3A_241 = arith.muli %add3A_239, %mul3A_240 : i32
        %multiple_of3A_242 = tpu.assume_multiple %mul3A_241, 16 : i32
        %add3A_243 = arith.constant 32 : i32
        %add3A_244 = arith.addi %add3A_243, %scan3A_200 : i32
        %get3A_245 = arith.index_cast %add3A_244 : i32 to index
        %get3A_246 = arith.index_cast %multiple_of3A_242 : i32 to index
        %get3A_247 = tpu.vector_load %arg8[%get3A_245, %get3A_246] {strides = array<i32>} : memref<128x512xf32, #tpu.memory_space<vmem>>, vector<1x16xf32>,
        %get3A_248 = vector.shape_cast %get3A_247 : vector<1x16xf32> to vector<16xf32>
        %add3A_249 = arith.constant 32 : i32
        %add3A_250 = arith.addi %add3A_249, %scan3A_200 : i32
        %get3A_251 = arith.index_cast %add3A_250 : i32 to index
        %get3A_252 = arith.index_cast %multiple_of3A_242 : i32 to index
        %get3A_253 = tpu.vector_load %arg7[%get3A_251, %get3A_252] {strides = array<i32>} : memref<48x512xf32, #tpu.memory_space<vmem>>, vector<1x16xf32>,
        %get3A_254 = vector.shape_cast %get3A_253 : vector<1x16xf32> to vector<16xf32>
        %sub3A_255 = arith.subf %get3A_248, %get3A_254 : vector<16xf32>
        %mul3A_256 = arith.mulf %sub3A_255, %sub3A_255 : vector<16xf32>
        %add3A_257 = arith.addf %scan3A_213, %mul3A_256 : vector<16xf32>
        %mul3A_258 = arith.constant 4 : i32
        %mul3A_259 = arith.muli %scan3A_211, %mul3A_258 : i32
        %add3A_260 = arith.constant 2 : i32
        %add3A_261 = arith.addi %mul3A_259, %add3A_260 : i32
        %mul3A_262 = arith.constant 16 : i32
        %mul3A_263 = arith.muli %add3A_261, %mul3A_262 : i32
        %multiple_of3A_264 = tpu.assume_multiple %mul3A_263, 16 : i32
        %add3A_265 = arith.constant 32 : i32
        %add3A_266 = arith.addi %add3A_265, %scan3A_200 : i32
        %get3A_267 = arith.index_cast %add3A_266 : i32 to index
        %get3A_268 = arith.index_cast %multiple_of3A_264 : i32 to index
        %get3A_269 = tpu.vector_load %arg8[%get3A_267, %get3A_268] {strides = array<i32>} : memref<128x512xf32, #tpu.memory_space<vmem>>, vector<1x16xf32>,
        %get3A_270 = vector.shape_cast %get3A_269 : vector<1x16xf32> to vector<16xf32>
        %add3A_271 = arith.constant 32 : i32
        %add3A_272 = arith.addi %add3A_271, %scan3A_200 : i32
        %get3A_273 = arith.index_cast %add3A_272 : i32 to index
        %get3A_274 = arith.index_cast %multiple_of3A_264 : i32 to index
        %get3A_275 = tpu.vector_load %arg7[%get3A_273, %get3A_274] {strides = array<i32>} : memref<48x512xf32, #tpu.memory_space<vmem>>, vector<1x16xf32>,
        %get3A_276 = vector.shape_cast %get3A_275 : vector<1x16xf32> to vector<16xf32>
        %sub3A_277 = arith.subf %get3A_270, %get3A_276 : vector<16xf32>
        %mul3A_278 = arith.mulf %sub3A_277, %sub3A_277 : vector<16xf32>
        %add3A_279 = arith.addf %scan3A_214, %mul3A_278 : vector<16xf32>
        %mul3A_280 = arith.constant 4 : i32
        %mul3A_281 = arith.muli %scan3A_211, %mul3A_280 : i32
        %add3A_282 = arith.constant 3 : i32
        %add3A_283 = arith.addi %mul3A_281, %add3A_282 : i32
        %mul3A_284 = arith.constant 16 : i32
        %mul3A_285 = arith.muli %add3A_283, %mul3A_284 : i32
        %multiple_of3A_286 = tpu.assume_multiple %mul3A_285, 16 : i32
        %add3A_287 = arith.constant 32 : i32
        %add3A_288 = arith.addi %add3A_287, %scan3A_200 : i32
        %get3A_289 = arith.index_cast %add3A_288 : i32 to index
        %get3A_290 = arith.index_cast %multiple_of3A_286 : i32 to index
        %get3A_291 = tpu.vector_load %arg8[%get3A_289, %get3A_290] {strides = array<i32>} : memref<128x512xf32, #tpu.memory_space<vmem>>, vector<1x16xf32>,
        %get3A_292 = vector.shape_cast %get3A_291 : vector<1x16xf32> to vector<16xf32>
        %add3A_293 = arith.constant 32 : i32
        %add3A_294 = arith.addi %add3A_293, %scan3A_200 : i32
        %get3A_295 = arith.index_cast %add3A_294 : i32 to index
        %get3A_296 = arith.index_cast %multiple_of3A_286 : i32 to index
        %get3A_297 = tpu.vector_load %arg7[%get3A_295, %get3A_296] {strides = array<i32>} : memref<48x512xf32, #tpu.memory_space<vmem>>, vector<1x16xf32>,
        %get3A_298 = vector.shape_cast %get3A_297 : vector<1x16xf32> to vector<16xf32>
        %sub3A_299 = arith.subf %get3A_292, %get3A_298 : vector<16xf32>
        %mul3A_300 = arith.mulf %sub3A_299, %sub3A_299 : vector<16xf32>
        %add3A_301 = arith.addf %scan3A_215, %mul3A_300 : vector<16xf32>
        scf.yield %add3A_235, %add3A_257, %add3A_279, %add3A_301 : vector<16xf32>, vector<16xf32>, vector<16xf32>, vector<16xf32>
      }
      %scan3A_210 = arith.constant 8 : i32
      scf.yield %scan3A_209#0, %scan3A_209#1, %scan3A_209#2, %scan3A_209#3 : vector<16xf32>, vector<16xf32>, vector<16xf32>, vector<16xf32>
    }
    %scan3A_96 = arith.constant 16 : i32
    %dma_start3A_97 = arith.constant 32 : i32
    %dma_start3A_98 = arith.constant 0 : i32
    %dma_start3A_99 = tpu.memref_slice %arg7[%dma_start3A_97, %dma_start3A_98] : memref<48x512xf32, #tpu.memory_space<vmem>> -> memref<16x512xf32, #tpu.memory_space<vmem>>
    %dma_start3A_100 = arith.constant 80 : i32
    %dma_start3A_101 = tpu.memref_slice %arg6[%dma_start3A_100] : memref<128xi32, #tpu.memory_space<vmem>> -> memref<16xi32, #tpu.memory_space<vmem>>
    %dma_start3A_102 = arith.constant 0 : i32
    %dma_start3A_103 = arith.constant 0 : i32
    %dma_start3A_104 = tpu.memref_slice %arg4[%dma_start3A_102, %dma_start3A_103] : memref<100000x512xf32, #tpu.memory_space<hbm>> -> memref<100000x512xf32, #tpu.memory_space<hbm>>
    tpu.enqueue_indirect_dma source(%dma_start3A_104 : memref<100000x512xf32, #tpu.memory_space<hbm>>) target(%dma_start3A_99 : memref<16x512xf32, #tpu.memory_space<vmem>>) offsets(%dma_start3A_101 : memref<16xi32, #tpu.memory_space<vmem>>) semaphore(%arg12 : memref<!tpu.dma_semaphore, #tpu.memory_space<semaphore_mem>>)
    %dma_wait3A_105 = arith.constant 0 : i32
    %dma_wait3A_106 = arith.constant 0 : i32
    %dma_wait3A_107 = tpu.memref_slice %arg7[%dma_wait3A_105, %dma_wait3A_106] : memref<48x512xf32, #tpu.memory_space<vmem>> -> memref<16x512xf32, #tpu.memory_space<vmem>>
    %dma_wait3A_108 = arith.constant 48 : i32
    %dma_wait3A_109 = tpu.memref_slice %arg6[%dma_wait3A_108] : memref<128xi32, #tpu.memory_space<vmem>> -> memref<16xi32, #tpu.memory_space<vmem>>
    %dma_wait3A_110 = arith.constant 0 : i32
    %dma_wait3A_111 = arith.constant 0 : i32
    %dma_wait3A_112 = tpu.memref_slice %arg4[%dma_wait3A_110, %dma_wait3A_111] : memref<100000x512xf32, #tpu.memory_space<hbm>> -> memref<100000x512xf32, #tpu.memory_space<hbm>>
    tpu.wait_indirect_dma semaphore(%arg10 : memref<!tpu.dma_semaphore, #tpu.memory_space<semaphore_mem>>) src(%dma_wait3A_112 : memref<100000x512xf32, #tpu.memory_space<hbm>>) dst(%dma_wait3A_107 : memref<16x512xf32, #tpu.memory_space<vmem>>)
    %scan3A_113 = arith.constant 0 : i32
    %scan3A_114 = arith.constant 16 : i32
    %scan3A_115 = arith.addi %scan3A_113, %scan3A_114 : i32
    %scan3A_116 = arith.constant 1 : i32
    %scan3A_117:4 = scf.for %scan3A_200 = %scan3A_113 to %scan3A_115 step %scan3A_116 iter_args(%scan3A_201 = %scan3A_95#0, %scan3A_202 = %scan3A_95#1, %scan3A_203 = %scan3A_95#2, %scan3A_204 = %scan3A_95#3) -> (vector<16xf32>, vector<16xf32>, vector<16xf32>, vector<16xf32>)  : i32 {
      %scan3A_205 = arith.constant 0 : i32
      %scan3A_206 = arith.constant 8 : i32
      %scan3A_207 = arith.addi %scan3A_205, %scan3A_206 : i32
      %scan3A_208 = arith.constant 1 : i32
      %scan3A_209:4 = scf.for %scan3A_211 = %scan3A_205 to %scan3A_207 step %scan3A_208 iter_args(%scan3A_212 = %scan3A_201, %scan3A_213 = %scan3A_202, %scan3A_214 = %scan3A_203, %scan3A_215 = %scan3A_204) -> (vector<16xf32>, vector<16xf32>, vector<16xf32>, vector<16xf32>)  : i32 {
        %mul3A_216 = arith.constant 4 : i32
        %mul3A_217 = arith.muli %scan3A_211, %mul3A_216 : i32
        %add3A_218 = arith.constant 0 : i32
        %add3A_219 = arith.addi %mul3A_217, %add3A_218 : i32
        %mul3A_220 = arith.constant 16 : i32
        %mul3A_221 = arith.muli %add3A_219, %mul3A_220 : i32
        %multiple_of3A_222 = tpu.assume_multiple %mul3A_221, 16 : i32
        %add3A_223 = arith.constant 48 : i32
        %add3A_224 = arith.addi %add3A_223, %scan3A_200 : i32
        %get3A = arith.index_cast %add3A_224 : i32 to index
        %get3A_225 = arith.index_cast %multiple_of3A_222 : i32 to index
        %get3A_226 = tpu.vector_load %arg8[%get3A, %get3A_225] {strides = array<i32>} : memref<128x512xf32, #tpu.memory_space<vmem>>, vector<1x16xf32>,
        %get3A_227 = vector.shape_cast %get3A_226 : vector<1x16xf32> to vector<16xf32>
        %add3A_228 = arith.constant 0 : i32
        %add3A_229 = arith.addi %add3A_228, %scan3A_200 : i32
        %get3A_230 = arith.index_cast %add3A_229 : i32 to index
        %get3A_231 = arith.index_cast %multiple_of3A_222 : i32 to index
        %get3A_232 = tpu.vector_load %arg7[%get3A_230, %get3A_231] {strides = array<i32>} : memref<48x512xf32, #tpu.memory_space<vmem>>, vector<1x16xf32>,
        %get3A_233 = vector.shape_cast %get3A_232 : vector<1x16xf32> to vector<16xf32>
        %sub3A = arith.subf %get3A_227, %get3A_233 : vector<16xf32>
        %mul3A_234 = arith.mulf %sub3A, %sub3A : vector<16xf32>
        %add3A_235 = arith.addf %scan3A_212, %mul3A_234 : vector<16xf32>
        %mul3A_236 = arith.constant 4 : i32
        %mul3A_237 = arith.muli %scan3A_211, %mul3A_236 : i32
        %add3A_238 = arith.constant 1 : i32
        %add3A_239 = arith.addi %mul3A_237, %add3A_238 : i32
        %mul3A_240 = arith.constant 16 : i32
        %mul3A_241 = arith.muli %add3A_239, %mul3A_240 : i32
        %multiple_of3A_242 = tpu.assume_multiple %mul3A_241, 16 : i32
        %add3A_243 = arith.constant 48 : i32
        %add3A_244 = arith.addi %add3A_243, %scan3A_200 : i32
        %get3A_245 = arith.index_cast %add3A_244 : i32 to index
        %get3A_246 = arith.index_cast %multiple_of3A_242 : i32 to index
        %get3A_247 = tpu.vector_load %arg8[%get3A_245, %get3A_246] {strides = array<i32>} : memref<128x512xf32, #tpu.memory_space<vmem>>, vector<1x16xf32>,
        %get3A_248 = vector.shape_cast %get3A_247 : vector<1x16xf32> to vector<16xf32>
        %add3A_249 = arith.constant 0 : i32
        %add3A_250 = arith.addi %add3A_249, %scan3A_200 : i32
        %get3A_251 = arith.index_cast %add3A_250 : i32 to index
        %get3A_252 = arith.index_cast %multiple_of3A_242 : i32 to index
        %get3A_253 = tpu.vector_load %arg7[%get3A_251, %get3A_252] {strides = array<i32>} : memref<48x512xf32, #tpu.memory_space<vmem>>, vector<1x16xf32>,
        %get3A_254 = vector.shape_cast %get3A_253 : vector<1x16xf32> to vector<16xf32>
        %sub3A_255 = arith.subf %get3A_248, %get3A_254 : vector<16xf32>
        %mul3A_256 = arith.mulf %sub3A_255, %sub3A_255 : vector<16xf32>
        %add3A_257 = arith.addf %scan3A_213, %mul3A_256 : vector<16xf32>
        %mul3A_258 = arith.constant 4 : i32
        %mul3A_259 = arith.muli %scan3A_211, %mul3A_258 : i32
        %add3A_260 = arith.constant 2 : i32
        %add3A_261 = arith.addi %mul3A_259, %add3A_260 : i32
        %mul3A_262 = arith.constant 16 : i32
        %mul3A_263 = arith.muli %add3A_261, %mul3A_262 : i32
        %multiple_of3A_264 = tpu.assume_multiple %mul3A_263, 16 : i32
        %add3A_265 = arith.constant 48 : i32
        %add3A_266 = arith.addi %add3A_265, %scan3A_200 : i32
        %get3A_267 = arith.index_cast %add3A_266 : i32 to index
        %get3A_268 = arith.index_cast %multiple_of3A_264 : i32 to index
        %get3A_269 = tpu.vector_load %arg8[%get3A_267, %get3A_268] {strides = array<i32>} : memref<128x512xf32, #tpu.memory_space<vmem>>, vector<1x16xf32>,
        %get3A_270 = vector.shape_cast %get3A_269 : vector<1x16xf32> to vector<16xf32>
        %add3A_271 = arith.constant 0 : i32
        %add3A_272 = arith.addi %add3A_271, %scan3A_200 : i32
        %get3A_273 = arith.index_cast %add3A_272 : i32 to index
        %get3A_274 = arith.index_cast %multiple_of3A_264 : i32 to index
        %get3A_275 = tpu.vector_load %arg7[%get3A_273, %get3A_274] {strides = array<i32>} : memref<48x512xf32, #tpu.memory_space<vmem>>, vector<1x16xf32>,
        %get3A_276 = vector.shape_cast %get3A_275 : vector<1x16xf32> to vector<16xf32>
        %sub3A_277 = arith.subf %get3A_270, %get3A_276 : vector<16xf32>
        %mul3A_278 = arith.mulf %sub3A_277, %sub3A_277 : vector<16xf32>
        %add3A_279 = arith.addf %scan3A_214, %mul3A_278 : vector<16xf32>
        %mul3A_280 = arith.constant 4 : i32
        %mul3A_281 = arith.muli %scan3A_211, %mul3A_280 : i32
        %add3A_282 = arith.constant 3 : i32
        %add3A_283 = arith.addi %mul3A_281, %add3A_282 : i32
        %mul3A_284 = arith.constant 16 : i32
        %mul3A_285 = arith.muli %add3A_283, %mul3A_284 : i32
        %multiple_of3A_286 = tpu.assume_multiple %mul3A_285, 16 : i32
        %add3A_287 = arith.constant 48 : i32
        %add3A_288 = arith.addi %add3A_287, %scan3A_200 : i32
        %get3A_289 = arith.index_cast %add3A_288 : i32 to index
        %get3A_290 = arith.index_cast %multiple_of3A_286 : i32 to index
        %get3A_291 = tpu.vector_load %arg8[%get3A_289, %get3A_290] {strides = array<i32>} : memref<128x512xf32, #tpu.memory_space<vmem>>, vector<1x16xf32>,
        %get3A_292 = vector.shape_cast %get3A_291 : vector<1x16xf32> to vector<16xf32>
        %add3A_293 = arith.constant 0 : i32
        %add3A_294 = arith.addi %add3A_293, %scan3A_200 : i32
        %get3A_295 = arith.index_cast %add3A_294 : i32 to index
        %get3A_296 = arith.index_cast %multiple_of3A_286 : i32 to index
        %get3A_297 = tpu.vector_load %arg7[%get3A_295, %get3A_296] {strides = array<i32>} : memref<48x512xf32, #tpu.memory_space<vmem>>, vector<1x16xf32>,
        %get3A_298 = vector.shape_cast %get3A_297 : vector<1x16xf32> to vector<16xf32>
        %sub3A_299 = arith.subf %get3A_292, %get3A_298 : vector<16xf32>
        %mul3A_300 = arith.mulf %sub3A_299, %sub3A_299 : vector<16xf32>
        %add3A_301 = arith.addf %scan3A_215, %mul3A_300 : vector<16xf32>
        scf.yield %add3A_235, %add3A_257, %add3A_279, %add3A_301 : vector<16xf32>, vector<16xf32>, vector<16xf32>, vector<16xf32>
      }
      %scan3A_210 = arith.constant 8 : i32
      scf.yield %scan3A_209#0, %scan3A_209#1, %scan3A_209#2, %scan3A_209#3 : vector<16xf32>, vector<16xf32>, vector<16xf32>, vector<16xf32>
    }
    %scan3A_118 = arith.constant 16 : i32
    %dma_start3A_119 = arith.constant 0 : i32
    %dma_start3A_120 = arith.constant 0 : i32
    %dma_start3A_121 = tpu.memref_slice %arg7[%dma_start3A_119, %dma_start3A_120] : memref<48x512xf32, #tpu.memory_space<vmem>> -> memref<16x512xf32, #tpu.memory_space<vmem>>
    %dma_start3A_122 = arith.constant 96 : i32
    %dma_start3A_123 = tpu.memref_slice %arg6[%dma_start3A_122] : memref<128xi32, #tpu.memory_space<vmem>> -> memref<16xi32, #tpu.memory_space<vmem>>
    %dma_start3A_124 = arith.constant 0 : i32
    %dma_start3A_125 = arith.constant 0 : i32
    %dma_start3A_126 = tpu.memref_slice %arg4[%dma_start3A_124, %dma_start3A_125] : memref<100000x512xf32, #tpu.memory_space<hbm>> -> memref<100000x512xf32, #tpu.memory_space<hbm>>
    tpu.enqueue_indirect_dma source(%dma_start3A_126 : memref<100000x512xf32, #tpu.memory_space<hbm>>) target(%dma_start3A_121 : memref<16x512xf32, #tpu.memory_space<vmem>>) offsets(%dma_start3A_123 : memref<16xi32, #tpu.memory_space<vmem>>) semaphore(%arg10 : memref<!tpu.dma_semaphore, #tpu.memory_space<semaphore_mem>>)
    %dma_wait3A_127 = arith.constant 16 : i32
    %dma_wait3A_128 = arith.constant 0 : i32
    %dma_wait3A_129 = tpu.memref_slice %arg7[%dma_wait3A_127, %dma_wait3A_128] : memref<48x512xf32, #tpu.memory_space<vmem>> -> memref<16x512xf32, #tpu.memory_space<vmem>>
    %dma_wait3A_130 = arith.constant 64 : i32
    %dma_wait3A_131 = tpu.memref_slice %arg6[%dma_wait3A_130] : memref<128xi32, #tpu.memory_space<vmem>> -> memref<16xi32, #tpu.memory_space<vmem>>
    %dma_wait3A_132 = arith.constant 0 : i32
    %dma_wait3A_133 = arith.constant 0 : i32
    %dma_wait3A_134 = tpu.memref_slice %arg4[%dma_wait3A_132, %dma_wait3A_133] : memref<100000x512xf32, #tpu.memory_space<hbm>> -> memref<100000x512xf32, #tpu.memory_space<hbm>>
    tpu.wait_indirect_dma semaphore(%arg11 : memref<!tpu.dma_semaphore, #tpu.memory_space<semaphore_mem>>) src(%dma_wait3A_134 : memref<100000x512xf32, #tpu.memory_space<hbm>>) dst(%dma_wait3A_129 : memref<16x512xf32, #tpu.memory_space<vmem>>)
    %scan3A_135 = arith.constant 0 : i32
    %scan3A_136 = arith.constant 16 : i32
    %scan3A_137 = arith.addi %scan3A_135, %scan3A_136 : i32
    %scan3A_138 = arith.constant 1 : i32
    %scan3A_139:4 = scf.for %scan3A_200 = %scan3A_135 to %scan3A_137 step %scan3A_138 iter_args(%scan3A_201 = %scan3A_117#0, %scan3A_202 = %scan3A_117#1, %scan3A_203 = %scan3A_117#2, %scan3A_204 = %scan3A_117#3) -> (vector<16xf32>, vector<16xf32>, vector<16xf32>, vector<16xf32>)  : i32 {
      %scan3A_205 = arith.constant 0 : i32
      %scan3A_206 = arith.constant 8 : i32
      %scan3A_207 = arith.addi %scan3A_205, %scan3A_206 : i32
      %scan3A_208 = arith.constant 1 : i32
      %scan3A_209:4 = scf.for %scan3A_211 = %scan3A_205 to %scan3A_207 step %scan3A_208 iter_args(%scan3A_212 = %scan3A_201, %scan3A_213 = %scan3A_202, %scan3A_214 = %scan3A_203, %scan3A_215 = %scan3A_204) -> (vector<16xf32>, vector<16xf32>, vector<16xf32>, vector<16xf32>)  : i32 {
        %mul3A_216 = arith.constant 4 : i32
        %mul3A_217 = arith.muli %scan3A_211, %mul3A_216 : i32
        %add3A_218 = arith.constant 0 : i32
        %add3A_219 = arith.addi %mul3A_217, %add3A_218 : i32
        %mul3A_220 = arith.constant 16 : i32
        %mul3A_221 = arith.muli %add3A_219, %mul3A_220 : i32
        %multiple_of3A_222 = tpu.assume_multiple %mul3A_221, 16 : i32
        %add3A_223 = arith.constant 64 : i32
        %add3A_224 = arith.addi %add3A_223, %scan3A_200 : i32
        %get3A = arith.index_cast %add3A_224 : i32 to index
        %get3A_225 = arith.index_cast %multiple_of3A_222 : i32 to index
        %get3A_226 = tpu.vector_load %arg8[%get3A, %get3A_225] {strides = array<i32>} : memref<128x512xf32, #tpu.memory_space<vmem>>, vector<1x16xf32>,
        %get3A_227 = vector.shape_cast %get3A_226 : vector<1x16xf32> to vector<16xf32>
        %add3A_228 = arith.constant 16 : i32
        %add3A_229 = arith.addi %add3A_228, %scan3A_200 : i32
        %get3A_230 = arith.index_cast %add3A_229 : i32 to index
        %get3A_231 = arith.index_cast %multiple_of3A_222 : i32 to index
        %get3A_232 = tpu.vector_load %arg7[%get3A_230, %get3A_231] {strides = array<i32>} : memref<48x512xf32, #tpu.memory_space<vmem>>, vector<1x16xf32>,
        %get3A_233 = vector.shape_cast %get3A_232 : vector<1x16xf32> to vector<16xf32>
        %sub3A = arith.subf %get3A_227, %get3A_233 : vector<16xf32>
        %mul3A_234 = arith.mulf %sub3A, %sub3A : vector<16xf32>
        %add3A_235 = arith.addf %scan3A_212, %mul3A_234 : vector<16xf32>
        %mul3A_236 = arith.constant 4 : i32
        %mul3A_237 = arith.muli %scan3A_211, %mul3A_236 : i32
        %add3A_238 = arith.constant 1 : i32
        %add3A_239 = arith.addi %mul3A_237, %add3A_238 : i32
        %mul3A_240 = arith.constant 16 : i32
        %mul3A_241 = arith.muli %add3A_239, %mul3A_240 : i32
        %multiple_of3A_242 = tpu.assume_multiple %mul3A_241, 16 : i32
        %add3A_243 = arith.constant 64 : i32
        %add3A_244 = arith.addi %add3A_243, %scan3A_200 : i32
        %get3A_245 = arith.index_cast %add3A_244 : i32 to index
        %get3A_246 = arith.index_cast %multiple_of3A_242 : i32 to index
        %get3A_247 = tpu.vector_load %arg8[%get3A_245, %get3A_246] {strides = array<i32>} : memref<128x512xf32, #tpu.memory_space<vmem>>, vector<1x16xf32>,
        %get3A_248 = vector.shape_cast %get3A_247 : vector<1x16xf32> to vector<16xf32>
        %add3A_249 = arith.constant 16 : i32
        %add3A_250 = arith.addi %add3A_249, %scan3A_200 : i32
        %get3A_251 = arith.index_cast %add3A_250 : i32 to index
        %get3A_252 = arith.index_cast %multiple_of3A_242 : i32 to index
        %get3A_253 = tpu.vector_load %arg7[%get3A_251, %get3A_252] {strides = array<i32>} : memref<48x512xf32, #tpu.memory_space<vmem>>, vector<1x16xf32>,
        %get3A_254 = vector.shape_cast %get3A_253 : vector<1x16xf32> to vector<16xf32>
        %sub3A_255 = arith.subf %get3A_248, %get3A_254 : vector<16xf32>
        %mul3A_256 = arith.mulf %sub3A_255, %sub3A_255 : vector<16xf32>
        %add3A_257 = arith.addf %scan3A_213, %mul3A_256 : vector<16xf32>
        %mul3A_258 = arith.constant 4 : i32
        %mul3A_259 = arith.muli %scan3A_211, %mul3A_258 : i32
        %add3A_260 = arith.constant 2 : i32
        %add3A_261 = arith.addi %mul3A_259, %add3A_260 : i32
        %mul3A_262 = arith.constant 16 : i32
        %mul3A_263 = arith.muli %add3A_261, %mul3A_262 : i32
        %multiple_of3A_264 = tpu.assume_multiple %mul3A_263, 16 : i32
        %add3A_265 = arith.constant 64 : i32
        %add3A_266 = arith.addi %add3A_265, %scan3A_200 : i32
        %get3A_267 = arith.index_cast %add3A_266 : i32 to index
        %get3A_268 = arith.index_cast %multiple_of3A_264 : i32 to index
        %get3A_269 = tpu.vector_load %arg8[%get3A_267, %get3A_268] {strides = array<i32>} : memref<128x512xf32, #tpu.memory_space<vmem>>, vector<1x16xf32>,
        %get3A_270 = vector.shape_cast %get3A_269 : vector<1x16xf32> to vector<16xf32>
        %add3A_271 = arith.constant 16 : i32
        %add3A_272 = arith.addi %add3A_271, %scan3A_200 : i32
        %get3A_273 = arith.index_cast %add3A_272 : i32 to index
        %get3A_274 = arith.index_cast %multiple_of3A_264 : i32 to index
        %get3A_275 = tpu.vector_load %arg7[%get3A_273, %get3A_274] {strides = array<i32>} : memref<48x512xf32, #tpu.memory_space<vmem>>, vector<1x16xf32>,
        %get3A_276 = vector.shape_cast %get3A_275 : vector<1x16xf32> to vector<16xf32>
        %sub3A_277 = arith.subf %get3A_270, %get3A_276 : vector<16xf32>
        %mul3A_278 = arith.mulf %sub3A_277, %sub3A_277 : vector<16xf32>
        %add3A_279 = arith.addf %scan3A_214, %mul3A_278 : vector<16xf32>
        %mul3A_280 = arith.constant 4 : i32
        %mul3A_281 = arith.muli %scan3A_211, %mul3A_280 : i32
        %add3A_282 = arith.constant 3 : i32
        %add3A_283 = arith.addi %mul3A_281, %add3A_282 : i32
        %mul3A_284 = arith.constant 16 : i32
        %mul3A_285 = arith.muli %add3A_283, %mul3A_284 : i32
        %multiple_of3A_286 = tpu.assume_multiple %mul3A_285, 16 : i32
        %add3A_287 = arith.constant 64 : i32
        %add3A_288 = arith.addi %add3A_287, %scan3A_200 : i32
        %get3A_289 = arith.index_cast %add3A_288 : i32 to index
        %get3A_290 = arith.index_cast %multiple_of3A_286 : i32 to index
        %get3A_291 = tpu.vector_load %arg8[%get3A_289, %get3A_290] {strides = array<i32>} : memref<128x512xf32, #tpu.memory_space<vmem>>, vector<1x16xf32>,
        %get3A_292 = vector.shape_cast %get3A_291 : vector<1x16xf32> to vector<16xf32>
        %add3A_293 = arith.constant 16 : i32
        %add3A_294 = arith.addi %add3A_293, %scan3A_200 : i32
        %get3A_295 = arith.index_cast %add3A_294 : i32 to index
        %get3A_296 = arith.index_cast %multiple_of3A_286 : i32 to index
        %get3A_297 = tpu.vector_load %arg7[%get3A_295, %get3A_296] {strides = array<i32>} : memref<48x512xf32, #tpu.memory_space<vmem>>, vector<1x16xf32>,
        %get3A_298 = vector.shape_cast %get3A_297 : vector<1x16xf32> to vector<16xf32>
        %sub3A_299 = arith.subf %get3A_292, %get3A_298 : vector<16xf32>
        %mul3A_300 = arith.mulf %sub3A_299, %sub3A_299 : vector<16xf32>
        %add3A_301 = arith.addf %scan3A_215, %mul3A_300 : vector<16xf32>
        scf.yield %add3A_235, %add3A_257, %add3A_279, %add3A_301 : vector<16xf32>, vector<16xf32>, vector<16xf32>, vector<16xf32>
      }
      %scan3A_210 = arith.constant 8 : i32
      scf.yield %scan3A_209#0, %scan3A_209#1, %scan3A_209#2, %scan3A_209#3 : vector<16xf32>, vector<16xf32>, vector<16xf32>, vector<16xf32>
    }
    %scan3A_140 = arith.constant 16 : i32
    %dma_start3A_141 = arith.constant 16 : i32
    %dma_start3A_142 = arith.constant 0 : i32
    %dma_start3A_143 = tpu.memref_slice %arg7[%dma_start3A_141, %dma_start3A_142] : memref<48x512xf32, #tpu.memory_space<vmem>> -> memref<16x512xf32, #tpu.memory_space<vmem>>
    %dma_start3A_144 = arith.constant 112 : i32
    %dma_start3A_145 = tpu.memref_slice %arg6[%dma_start3A_144] : memref<128xi32, #tpu.memory_space<vmem>> -> memref<16xi32, #tpu.memory_space<vmem>>
    %dma_start3A_146 = arith.constant 0 : i32
    %dma_start3A_147 = arith.constant 0 : i32
    %dma_start3A_148 = tpu.memref_slice %arg4[%dma_start3A_146, %dma_start3A_147] : memref<100000x512xf32, #tpu.memory_space<hbm>> -> memref<100000x512xf32, #tpu.memory_space<hbm>>
    tpu.enqueue_indirect_dma source(%dma_start3A_148 : memref<100000x512xf32, #tpu.memory_space<hbm>>) target(%dma_start3A_143 : memref<16x512xf32, #tpu.memory_space<vmem>>) offsets(%dma_start3A_145 : memref<16xi32, #tpu.memory_space<vmem>>) semaphore(%arg11 : memref<!tpu.dma_semaphore, #tpu.memory_space<semaphore_mem>>)
    %dma_wait3A_149 = arith.constant 32 : i32
    %dma_wait3A_150 = arith.constant 0 : i32
    %dma_wait3A_151 = tpu.memref_slice %arg7[%dma_wait3A_149, %dma_wait3A_150] : memref<48x512xf32, #tpu.memory_space<vmem>> -> memref<16x512xf32, #tpu.memory_space<vmem>>
    %dma_wait3A_152 = arith.constant 80 : i32
    %dma_wait3A_153 = tpu.memref_slice %arg6[%dma_wait3A_152] : memref<128xi32, #tpu.memory_space<vmem>> -> memref<16xi32, #tpu.memory_space<vmem>>
    %dma_wait3A_154 = arith.constant 0 : i32
    %dma_wait3A_155 = arith.constant 0 : i32
    %dma_wait3A_156 = tpu.memref_slice %arg4[%dma_wait3A_154, %dma_wait3A_155] : memref<100000x512xf32, #tpu.memory_space<hbm>> -> memref<100000x512xf32, #tpu.memory_space<hbm>>
    tpu.wait_indirect_dma semaphore(%arg12 : memref<!tpu.dma_semaphore, #tpu.memory_space<semaphore_mem>>) src(%dma_wait3A_156 : memref<100000x512xf32, #tpu.memory_space<hbm>>) dst(%dma_wait3A_151 : memref<16x512xf32, #tpu.memory_space<vmem>>)
    %scan3A_157 = arith.constant 0 : i32
    %scan3A_158 = arith.constant 16 : i32
    %scan3A_159 = arith.addi %scan3A_157, %scan3A_158 : i32
    %scan3A_160 = arith.constant 1 : i32
    %scan3A_161:4 = scf.for %scan3A_200 = %scan3A_157 to %scan3A_159 step %scan3A_160 iter_args(%scan3A_201 = %scan3A_139#0, %scan3A_202 = %scan3A_139#1, %scan3A_203 = %scan3A_139#2, %scan3A_204 = %scan3A_139#3) -> (vector<16xf32>, vector<16xf32>, vector<16xf32>, vector<16xf32>)  : i32 {
      %scan3A_205 = arith.constant 0 : i32
      %scan3A_206 = arith.constant 8 : i32
      %scan3A_207 = arith.addi %scan3A_205, %scan3A_206 : i32
      %scan3A_208 = arith.constant 1 : i32
      %scan3A_209:4 = scf.for %scan3A_211 = %scan3A_205 to %scan3A_207 step %scan3A_208 iter_args(%scan3A_212 = %scan3A_201, %scan3A_213 = %scan3A_202, %scan3A_214 = %scan3A_203, %scan3A_215 = %scan3A_204) -> (vector<16xf32>, vector<16xf32>, vector<16xf32>, vector<16xf32>)  : i32 {
        %mul3A_216 = arith.constant 4 : i32
        %mul3A_217 = arith.muli %scan3A_211, %mul3A_216 : i32
        %add3A_218 = arith.constant 0 : i32
        %add3A_219 = arith.addi %mul3A_217, %add3A_218 : i32
        %mul3A_220 = arith.constant 16 : i32
        %mul3A_221 = arith.muli %add3A_219, %mul3A_220 : i32
        %multiple_of3A_222 = tpu.assume_multiple %mul3A_221, 16 : i32
        %add3A_223 = arith.constant 80 : i32
        %add3A_224 = arith.addi %add3A_223, %scan3A_200 : i32
        %get3A = arith.index_cast %add3A_224 : i32 to index
        %get3A_225 = arith.index_cast %multiple_of3A_222 : i32 to index
        %get3A_226 = tpu.vector_load %arg8[%get3A, %get3A_225] {strides = array<i32>} : memref<128x512xf32, #tpu.memory_space<vmem>>, vector<1x16xf32>,
        %get3A_227 = vector.shape_cast %get3A_226 : vector<1x16xf32> to vector<16xf32>
        %add3A_228 = arith.constant 32 : i32
        %add3A_229 = arith.addi %add3A_228, %scan3A_200 : i32
        %get3A_230 = arith.index_cast %add3A_229 : i32 to index
        %get3A_231 = arith.index_cast %multiple_of3A_222 : i32 to index
        %get3A_232 = tpu.vector_load %arg7[%get3A_230, %get3A_231] {strides = array<i32>} : memref<48x512xf32, #tpu.memory_space<vmem>>, vector<1x16xf32>,
        %get3A_233 = vector.shape_cast %get3A_232 : vector<1x16xf32> to vector<16xf32>
        %sub3A = arith.subf %get3A_227, %get3A_233 : vector<16xf32>
        %mul3A_234 = arith.mulf %sub3A, %sub3A : vector<16xf32>
        %add3A_235 = arith.addf %scan3A_212, %mul3A_234 : vector<16xf32>
        %mul3A_236 = arith.constant 4 : i32
        %mul3A_237 = arith.muli %scan3A_211, %mul3A_236 : i32
        %add3A_238 = arith.constant 1 : i32
        %add3A_239 = arith.addi %mul3A_237, %add3A_238 : i32
        %mul3A_240 = arith.constant 16 : i32
        %mul3A_241 = arith.muli %add3A_239, %mul3A_240 : i32
        %multiple_of3A_242 = tpu.assume_multiple %mul3A_241, 16 : i32
        %add3A_243 = arith.constant 80 : i32
        %add3A_244 = arith.addi %add3A_243, %scan3A_200 : i32
        %get3A_245 = arith.index_cast %add3A_244 : i32 to index
        %get3A_246 = arith.index_cast %multiple_of3A_242 : i32 to index
        %get3A_247 = tpu.vector_load %arg8[%get3A_245, %get3A_246] {strides = array<i32>} : memref<128x512xf32, #tpu.memory_space<vmem>>, vector<1x16xf32>,
        %get3A_248 = vector.shape_cast %get3A_247 : vector<1x16xf32> to vector<16xf32>
        %add3A_249 = arith.constant 32 : i32
        %add3A_250 = arith.addi %add3A_249, %scan3A_200 : i32
        %get3A_251 = arith.index_cast %add3A_250 : i32 to index
        %get3A_252 = arith.index_cast %multiple_of3A_242 : i32 to index
        %get3A_253 = tpu.vector_load %arg7[%get3A_251, %get3A_252] {strides = array<i32>} : memref<48x512xf32, #tpu.memory_space<vmem>>, vector<1x16xf32>,
        %get3A_254 = vector.shape_cast %get3A_253 : vector<1x16xf32> to vector<16xf32>
        %sub3A_255 = arith.subf %get3A_248, %get3A_254 : vector<16xf32>
        %mul3A_256 = arith.mulf %sub3A_255, %sub3A_255 : vector<16xf32>
        %add3A_257 = arith.addf %scan3A_213, %mul3A_256 : vector<16xf32>
        %mul3A_258 = arith.constant 4 : i32
        %mul3A_259 = arith.muli %scan3A_211, %mul3A_258 : i32
        %add3A_260 = arith.constant 2 : i32
        %add3A_261 = arith.addi %mul3A_259, %add3A_260 : i32
        %mul3A_262 = arith.constant 16 : i32
        %mul3A_263 = arith.muli %add3A_261, %mul3A_262 : i32
        %multiple_of3A_264 = tpu.assume_multiple %mul3A_263, 16 : i32
        %add3A_265 = arith.constant 80 : i32
        %add3A_266 = arith.addi %add3A_265, %scan3A_200 : i32
        %get3A_267 = arith.index_cast %add3A_266 : i32 to index
        %get3A_268 = arith.index_cast %multiple_of3A_264 : i32 to index
        %get3A_269 = tpu.vector_load %arg8[%get3A_267, %get3A_268] {strides = array<i32>} : memref<128x512xf32, #tpu.memory_space<vmem>>, vector<1x16xf32>,
        %get3A_270 = vector.shape_cast %get3A_269 : vector<1x16xf32> to vector<16xf32>
        %add3A_271 = arith.constant 32 : i32
        %add3A_272 = arith.addi %add3A_271, %scan3A_200 : i32
        %get3A_273 = arith.index_cast %add3A_272 : i32 to index
        %get3A_274 = arith.index_cast %multiple_of3A_264 : i32 to index
        %get3A_275 = tpu.vector_load %arg7[%get3A_273, %get3A_274] {strides = array<i32>} : memref<48x512xf32, #tpu.memory_space<vmem>>, vector<1x16xf32>,
        %get3A_276 = vector.shape_cast %get3A_275 : vector<1x16xf32> to vector<16xf32>
        %sub3A_277 = arith.subf %get3A_270, %get3A_276 : vector<16xf32>
        %mul3A_278 = arith.mulf %sub3A_277, %sub3A_277 : vector<16xf32>
        %add3A_279 = arith.addf %scan3A_214, %mul3A_278 : vector<16xf32>
        %mul3A_280 = arith.constant 4 : i32
        %mul3A_281 = arith.muli %scan3A_211, %mul3A_280 : i32
        %add3A_282 = arith.constant 3 : i32
        %add3A_283 = arith.addi %mul3A_281, %add3A_282 : i32
        %mul3A_284 = arith.constant 16 : i32
        %mul3A_285 = arith.muli %add3A_283, %mul3A_284 : i32
        %multiple_of3A_286 = tpu.assume_multiple %mul3A_285, 16 : i32
        %add3A_287 = arith.constant 80 : i32
        %add3A_288 = arith.addi %add3A_287, %scan3A_200 : i32
        %get3A_289 = arith.index_cast %add3A_288 : i32 to index
        %get3A_290 = arith.index_cast %multiple_of3A_286 : i32 to index
        %get3A_291 = tpu.vector_load %arg8[%get3A_289, %get3A_290] {strides = array<i32>} : memref<128x512xf32, #tpu.memory_space<vmem>>, vector<1x16xf32>,
        %get3A_292 = vector.shape_cast %get3A_291 : vector<1x16xf32> to vector<16xf32>
        %add3A_293 = arith.constant 32 : i32
        %add3A_294 = arith.addi %add3A_293, %scan3A_200 : i32
        %get3A_295 = arith.index_cast %add3A_294 : i32 to index
        %get3A_296 = arith.index_cast %multiple_of3A_286 : i32 to index
        %get3A_297 = tpu.vector_load %arg7[%get3A_295, %get3A_296] {strides = array<i32>} : memref<48x512xf32, #tpu.memory_space<vmem>>, vector<1x16xf32>,
        %get3A_298 = vector.shape_cast %get3A_297 : vector<1x16xf32> to vector<16xf32>
        %sub3A_299 = arith.subf %get3A_292, %get3A_298 : vector<16xf32>
        %mul3A_300 = arith.mulf %sub3A_299, %sub3A_299 : vector<16xf32>
        %add3A_301 = arith.addf %scan3A_215, %mul3A_300 : vector<16xf32>
        scf.yield %add3A_235, %add3A_257, %add3A_279, %add3A_301 : vector<16xf32>, vector<16xf32>, vector<16xf32>, vector<16xf32>
      }
      %scan3A_210 = arith.constant 8 : i32
      scf.yield %scan3A_209#0, %scan3A_209#1, %scan3A_209#2, %scan3A_209#3 : vector<16xf32>, vector<16xf32>, vector<16xf32>, vector<16xf32>
    }
    %scan3A_162 = arith.constant 16 : i32
    %dma_wait3A_163 = arith.constant 0 : i32
    %dma_wait3A_164 = arith.constant 0 : i32
    %dma_wait3A_165 = tpu.memref_slice %arg7[%dma_wait3A_163, %dma_wait3A_164] : memref<48x512xf32, #tpu.memory_space<vmem>> -> memref<16x512xf32, #tpu.memory_space<vmem>>
    %dma_wait3A_166 = arith.constant 96 : i32
    %dma_wait3A_167 = tpu.memref_slice %arg6[%dma_wait3A_166] : memref<128xi32, #tpu.memory_space<vmem>> -> memref<16xi32, #tpu.memory_space<vmem>>
    %dma_wait3A_168 = arith.constant 0 : i32
    %dma_wait3A_169 = arith.constant 0 : i32
    %dma_wait3A_170 = tpu.memref_slice %arg4[%dma_wait3A_168, %dma_wait3A_169] : memref<100000x512xf32, #tpu.memory_space<hbm>> -> memref<100000x512xf32, #tpu.memory_space<hbm>>
    tpu.wait_indirect_dma semaphore(%arg10 : memref<!tpu.dma_semaphore, #tpu.memory_space<semaphore_mem>>) src(%dma_wait3A_170 : memref<100000x512xf32, #tpu.memory_space<hbm>>) dst(%dma_wait3A_165 : memref<16x512xf32, #tpu.memory_space<vmem>>)
    %scan3A_171 = arith.constant 0 : i32
    %scan3A_172 = arith.constant 16 : i32
    %scan3A_173 = arith.addi %scan3A_171, %scan3A_172 : i32
    %scan3A_174 = arith.constant 1 : i32
    %scan3A_175:4 = scf.for %scan3A_200 = %scan3A_171 to %scan3A_173 step %scan3A_174 iter_args(%scan3A_201 = %scan3A_161#0, %scan3A_202 = %scan3A_161#1, %scan3A_203 = %scan3A_161#2, %scan3A_204 = %scan3A_161#3) -> (vector<16xf32>, vector<16xf32>, vector<16xf32>, vector<16xf32>)  : i32 {
      %scan3A_205 = arith.constant 0 : i32
      %scan3A_206 = arith.constant 8 : i32
      %scan3A_207 = arith.addi %scan3A_205, %scan3A_206 : i32
      %scan3A_208 = arith.constant 1 : i32
      %scan3A_209:4 = scf.for %scan3A_211 = %scan3A_205 to %scan3A_207 step %scan3A_208 iter_args(%scan3A_212 = %scan3A_201, %scan3A_213 = %scan3A_202, %scan3A_214 = %scan3A_203, %scan3A_215 = %scan3A_204) -> (vector<16xf32>, vector<16xf32>, vector<16xf32>, vector<16xf32>)  : i32 {
        %mul3A_216 = arith.constant 4 : i32
        %mul3A_217 = arith.muli %scan3A_211, %mul3A_216 : i32
        %add3A_218 = arith.constant 0 : i32
        %add3A_219 = arith.addi %mul3A_217, %add3A_218 : i32
        %mul3A_220 = arith.constant 16 : i32
        %mul3A_221 = arith.muli %add3A_219, %mul3A_220 : i32
        %multiple_of3A_222 = tpu.assume_multiple %mul3A_221, 16 : i32
        %add3A_223 = arith.constant 96 : i32
        %add3A_224 = arith.addi %add3A_223, %scan3A_200 : i32
        %get3A = arith.index_cast %add3A_224 : i32 to index
        %get3A_225 = arith.index_cast %multiple_of3A_222 : i32 to index
        %get3A_226 = tpu.vector_load %arg8[%get3A, %get3A_225] {strides = array<i32>} : memref<128x512xf32, #tpu.memory_space<vmem>>, vector<1x16xf32>,
        %get3A_227 = vector.shape_cast %get3A_226 : vector<1x16xf32> to vector<16xf32>
        %add3A_228 = arith.constant 0 : i32
        %add3A_229 = arith.addi %add3A_228, %scan3A_200 : i32
        %get3A_230 = arith.index_cast %add3A_229 : i32 to index
        %get3A_231 = arith.index_cast %multiple_of3A_222 : i32 to index
        %get3A_232 = tpu.vector_load %arg7[%get3A_230, %get3A_231] {strides = array<i32>} : memref<48x512xf32, #tpu.memory_space<vmem>>, vector<1x16xf32>,
        %get3A_233 = vector.shape_cast %get3A_232 : vector<1x16xf32> to vector<16xf32>
        %sub3A = arith.subf %get3A_227, %get3A_233 : vector<16xf32>
        %mul3A_234 = arith.mulf %sub3A, %sub3A : vector<16xf32>
        %add3A_235 = arith.addf %scan3A_212, %mul3A_234 : vector<16xf32>
        %mul3A_236 = arith.constant 4 : i32
        %mul3A_237 = arith.muli %scan3A_211, %mul3A_236 : i32
        %add3A_238 = arith.constant 1 : i32
        %add3A_239 = arith.addi %mul3A_237, %add3A_238 : i32
        %mul3A_240 = arith.constant 16 : i32
        %mul3A_241 = arith.muli %add3A_239, %mul3A_240 : i32
        %multiple_of3A_242 = tpu.assume_multiple %mul3A_241, 16 : i32
        %add3A_243 = arith.constant 96 : i32
        %add3A_244 = arith.addi %add3A_243, %scan3A_200 : i32
        %get3A_245 = arith.index_cast %add3A_244 : i32 to index
        %get3A_246 = arith.index_cast %multiple_of3A_242 : i32 to index
        %get3A_247 = tpu.vector_load %arg8[%get3A_245, %get3A_246] {strides = array<i32>} : memref<128x512xf32, #tpu.memory_space<vmem>>, vector<1x16xf32>,
        %get3A_248 = vector.shape_cast %get3A_247 : vector<1x16xf32> to vector<16xf32>
        %add3A_249 = arith.constant 0 : i32
        %add3A_250 = arith.addi %add3A_249, %scan3A_200 : i32
        %get3A_251 = arith.index_cast %add3A_250 : i32 to index
        %get3A_252 = arith.index_cast %multiple_of3A_242 : i32 to index
        %get3A_253 = tpu.vector_load %arg7[%get3A_251, %get3A_252] {strides = array<i32>} : memref<48x512xf32, #tpu.memory_space<vmem>>, vector<1x16xf32>,
        %get3A_254 = vector.shape_cast %get3A_253 : vector<1x16xf32> to vector<16xf32>
        %sub3A_255 = arith.subf %get3A_248, %get3A_254 : vector<16xf32>
        %mul3A_256 = arith.mulf %sub3A_255, %sub3A_255 : vector<16xf32>
        %add3A_257 = arith.addf %scan3A_213, %mul3A_256 : vector<16xf32>
        %mul3A_258 = arith.constant 4 : i32
        %mul3A_259 = arith.muli %scan3A_211, %mul3A_258 : i32
        %add3A_260 = arith.constant 2 : i32
        %add3A_261 = arith.addi %mul3A_259, %add3A_260 : i32
        %mul3A_262 = arith.constant 16 : i32
        %mul3A_263 = arith.muli %add3A_261, %mul3A_262 : i32
        %multiple_of3A_264 = tpu.assume_multiple %mul3A_263, 16 : i32
        %add3A_265 = arith.constant 96 : i32
        %add3A_266 = arith.addi %add3A_265, %scan3A_200 : i32
        %get3A_267 = arith.index_cast %add3A_266 : i32 to index
        %get3A_268 = arith.index_cast %multiple_of3A_264 : i32 to index
        %get3A_269 = tpu.vector_load %arg8[%get3A_267, %get3A_268] {strides = array<i32>} : memref<128x512xf32, #tpu.memory_space<vmem>>, vector<1x16xf32>,
        %get3A_270 = vector.shape_cast %get3A_269 : vector<1x16xf32> to vector<16xf32>
        %add3A_271 = arith.constant 0 : i32
        %add3A_272 = arith.addi %add3A_271, %scan3A_200 : i32
        %get3A_273 = arith.index_cast %add3A_272 : i32 to index
        %get3A_274 = arith.index_cast %multiple_of3A_264 : i32 to index
        %get3A_275 = tpu.vector_load %arg7[%get3A_273, %get3A_274] {strides = array<i32>} : memref<48x512xf32, #tpu.memory_space<vmem>>, vector<1x16xf32>,
        %get3A_276 = vector.shape_cast %get3A_275 : vector<1x16xf32> to vector<16xf32>
        %sub3A_277 = arith.subf %get3A_270, %get3A_276 : vector<16xf32>
        %mul3A_278 = arith.mulf %sub3A_277, %sub3A_277 : vector<16xf32>
        %add3A_279 = arith.addf %scan3A_214, %mul3A_278 : vector<16xf32>
        %mul3A_280 = arith.constant 4 : i32
        %mul3A_281 = arith.muli %scan3A_211, %mul3A_280 : i32
        %add3A_282 = arith.constant 3 : i32
        %add3A_283 = arith.addi %mul3A_281, %add3A_282 : i32
        %mul3A_284 = arith.constant 16 : i32
        %mul3A_285 = arith.muli %add3A_283, %mul3A_284 : i32
        %multiple_of3A_286 = tpu.assume_multiple %mul3A_285, 16 : i32
        %add3A_287 = arith.constant 96 : i32
        %add3A_288 = arith.addi %add3A_287, %scan3A_200 : i32
        %get3A_289 = arith.index_cast %add3A_288 : i32 to index
        %get3A_290 = arith.index_cast %multiple_of3A_286 : i32 to index
        %get3A_291 = tpu.vector_load %arg8[%get3A_289, %get3A_290] {strides = array<i32>} : memref<128x512xf32, #tpu.memory_space<vmem>>, vector<1x16xf32>,
        %get3A_292 = vector.shape_cast %get3A_291 : vector<1x16xf32> to vector<16xf32>
        %add3A_293 = arith.constant 0 : i32
        %add3A_294 = arith.addi %add3A_293, %scan3A_200 : i32
        %get3A_295 = arith.index_cast %add3A_294 : i32 to index
        %get3A_296 = arith.index_cast %multiple_of3A_286 : i32 to index
        %get3A_297 = tpu.vector_load %arg7[%get3A_295, %get3A_296] {strides = array<i32>} : memref<48x512xf32, #tpu.memory_space<vmem>>, vector<1x16xf32>,
        %get3A_298 = vector.shape_cast %get3A_297 : vector<1x16xf32> to vector<16xf32>
        %sub3A_299 = arith.subf %get3A_292, %get3A_298 : vector<16xf32>
        %mul3A_300 = arith.mulf %sub3A_299, %sub3A_299 : vector<16xf32>
        %add3A_301 = arith.addf %scan3A_215, %mul3A_300 : vector<16xf32>
        scf.yield %add3A_235, %add3A_257, %add3A_279, %add3A_301 : vector<16xf32>, vector<16xf32>, vector<16xf32>, vector<16xf32>
      }
      %scan3A_210 = arith.constant 8 : i32
      scf.yield %scan3A_209#0, %scan3A_209#1, %scan3A_209#2, %scan3A_209#3 : vector<16xf32>, vector<16xf32>, vector<16xf32>, vector<16xf32>
    }
    %scan3A_176 = arith.constant 16 : i32
    %dma_wait3A_177 = arith.constant 16 : i32
    %dma_wait3A_178 = arith.constant 0 : i32
    %dma_wait3A_179 = tpu.memref_slice %arg7[%dma_wait3A_177, %dma_wait3A_178] : memref<48x512xf32, #tpu.memory_space<vmem>> -> memref<16x512xf32, #tpu.memory_space<vmem>>
    %dma_wait3A_180 = arith.constant 112 : i32
    %dma_wait3A_181 = tpu.memref_slice %arg6[%dma_wait3A_180] : memref<128xi32, #tpu.memory_space<vmem>> -> memref<16xi32, #tpu.memory_space<vmem>>
    %dma_wait3A_182 = arith.constant 0 : i32
    %dma_wait3A_183 = arith.constant 0 : i32
    %dma_wait3A_184 = tpu.memref_slice %arg4[%dma_wait3A_182, %dma_wait3A_183] : memref<100000x512xf32, #tpu.memory_space<hbm>> -> memref<100000x512xf32, #tpu.memory_space<hbm>>
    tpu.wait_indirect_dma semaphore(%arg11 : memref<!tpu.dma_semaphore, #tpu.memory_space<semaphore_mem>>) src(%dma_wait3A_184 : memref<100000x512xf32, #tpu.memory_space<hbm>>) dst(%dma_wait3A_179 : memref<16x512xf32, #tpu.memory_space<vmem>>)
    %scan3A_185 = arith.constant 0 : i32
    %scan3A_186 = arith.constant 16 : i32
    %scan3A_187 = arith.addi %scan3A_185, %scan3A_186 : i32
    %scan3A_188 = arith.constant 1 : i32
    %scan3A_189:4 = scf.for %scan3A_200 = %scan3A_185 to %scan3A_187 step %scan3A_188 iter_args(%scan3A_201 = %scan3A_175#0, %scan3A_202 = %scan3A_175#1, %scan3A_203 = %scan3A_175#2, %scan3A_204 = %scan3A_175#3) -> (vector<16xf32>, vector<16xf32>, vector<16xf32>, vector<16xf32>)  : i32 {
      %scan3A_205 = arith.constant 0 : i32
      %scan3A_206 = arith.constant 8 : i32
      %scan3A_207 = arith.addi %scan3A_205, %scan3A_206 : i32
      %scan3A_208 = arith.constant 1 : i32
      %scan3A_209:4 = scf.for %scan3A_211 = %scan3A_205 to %scan3A_207 step %scan3A_208 iter_args(%scan3A_212 = %scan3A_201, %scan3A_213 = %scan3A_202, %scan3A_214 = %scan3A_203, %scan3A_215 = %scan3A_204) -> (vector<16xf32>, vector<16xf32>, vector<16xf32>, vector<16xf32>)  : i32 {
        %mul3A_216 = arith.constant 4 : i32
        %mul3A_217 = arith.muli %scan3A_211, %mul3A_216 : i32
        %add3A_218 = arith.constant 0 : i32
        %add3A_219 = arith.addi %mul3A_217, %add3A_218 : i32
        %mul3A_220 = arith.constant 16 : i32
        %mul3A_221 = arith.muli %add3A_219, %mul3A_220 : i32
        %multiple_of3A_222 = tpu.assume_multiple %mul3A_221, 16 : i32
        %add3A_223 = arith.constant 112 : i32
        %add3A_224 = arith.addi %add3A_223, %scan3A_200 : i32
        %get3A = arith.index_cast %add3A_224 : i32 to index
        %get3A_225 = arith.index_cast %multiple_of3A_222 : i32 to index
        %get3A_226 = tpu.vector_load %arg8[%get3A, %get3A_225] {strides = array<i32>} : memref<128x512xf32, #tpu.memory_space<vmem>>, vector<1x16xf32>,
        %get3A_227 = vector.shape_cast %get3A_226 : vector<1x16xf32> to vector<16xf32>
        %add3A_228 = arith.constant 16 : i32
        %add3A_229 = arith.addi %add3A_228, %scan3A_200 : i32
        %get3A_230 = arith.index_cast %add3A_229 : i32 to index
        %get3A_231 = arith.index_cast %multiple_of3A_222 : i32 to index
        %get3A_232 = tpu.vector_load %arg7[%get3A_230, %get3A_231] {strides = array<i32>} : memref<48x512xf32, #tpu.memory_space<vmem>>, vector<1x16xf32>,
        %get3A_233 = vector.shape_cast %get3A_232 : vector<1x16xf32> to vector<16xf32>
        %sub3A = arith.subf %get3A_227, %get3A_233 : vector<16xf32>
        %mul3A_234 = arith.mulf %sub3A, %sub3A : vector<16xf32>
        %add3A_235 = arith.addf %scan3A_212, %mul3A_234 : vector<16xf32>
        %mul3A_236 = arith.constant 4 : i32
        %mul3A_237 = arith.muli %scan3A_211, %mul3A_236 : i32
        %add3A_238 = arith.constant 1 : i32
        %add3A_239 = arith.addi %mul3A_237, %add3A_238 : i32
        %mul3A_240 = arith.constant 16 : i32
        %mul3A_241 = arith.muli %add3A_239, %mul3A_240 : i32
        %multiple_of3A_242 = tpu.assume_multiple %mul3A_241, 16 : i32
        %add3A_243 = arith.constant 112 : i32
        %add3A_244 = arith.addi %add3A_243, %scan3A_200 : i32
        %get3A_245 = arith.index_cast %add3A_244 : i32 to index
        %get3A_246 = arith.index_cast %multiple_of3A_242 : i32 to index
        %get3A_247 = tpu.vector_load %arg8[%get3A_245, %get3A_246] {strides = array<i32>} : memref<128x512xf32, #tpu.memory_space<vmem>>, vector<1x16xf32>,
        %get3A_248 = vector.shape_cast %get3A_247 : vector<1x16xf32> to vector<16xf32>
        %add3A_249 = arith.constant 16 : i32
        %add3A_250 = arith.addi %add3A_249, %scan3A_200 : i32
        %get3A_251 = arith.index_cast %add3A_250 : i32 to index
        %get3A_252 = arith.index_cast %multiple_of3A_242 : i32 to index
        %get3A_253 = tpu.vector_load %arg7[%get3A_251, %get3A_252] {strides = array<i32>} : memref<48x512xf32, #tpu.memory_space<vmem>>, vector<1x16xf32>,
        %get3A_254 = vector.shape_cast %get3A_253 : vector<1x16xf32> to vector<16xf32>
        %sub3A_255 = arith.subf %get3A_248, %get3A_254 : vector<16xf32>
        %mul3A_256 = arith.mulf %sub3A_255, %sub3A_255 : vector<16xf32>
        %add3A_257 = arith.addf %scan3A_213, %mul3A_256 : vector<16xf32>
        %mul3A_258 = arith.constant 4 : i32
        %mul3A_259 = arith.muli %scan3A_211, %mul3A_258 : i32
        %add3A_260 = arith.constant 2 : i32
        %add3A_261 = arith.addi %mul3A_259, %add3A_260 : i32
        %mul3A_262 = arith.constant 16 : i32
        %mul3A_263 = arith.muli %add3A_261, %mul3A_262 : i32
        %multiple_of3A_264 = tpu.assume_multiple %mul3A_263, 16 : i32
        %add3A_265 = arith.constant 112 : i32
        %add3A_266 = arith.addi %add3A_265, %scan3A_200 : i32
        %get3A_267 = arith.index_cast %add3A_266 : i32 to index
        %get3A_268 = arith.index_cast %multiple_of3A_264 : i32 to index
        %get3A_269 = tpu.vector_load %arg8[%get3A_267, %get3A_268] {strides = array<i32>} : memref<128x512xf32, #tpu.memory_space<vmem>>, vector<1x16xf32>,
        %get3A_270 = vector.shape_cast %get3A_269 : vector<1x16xf32> to vector<16xf32>
        %add3A_271 = arith.constant 16 : i32
        %add3A_272 = arith.addi %add3A_271, %scan3A_200 : i32
        %get3A_273 = arith.index_cast %add3A_272 : i32 to index
        %get3A_274 = arith.index_cast %multiple_of3A_264 : i32 to index
        %get3A_275 = tpu.vector_load %arg7[%get3A_273, %get3A_274] {strides = array<i32>} : memref<48x512xf32, #tpu.memory_space<vmem>>, vector<1x16xf32>,
        %get3A_276 = vector.shape_cast %get3A_275 : vector<1x16xf32> to vector<16xf32>
        %sub3A_277 = arith.subf %get3A_270, %get3A_276 : vector<16xf32>
        %mul3A_278 = arith.mulf %sub3A_277, %sub3A_277 : vector<16xf32>
        %add3A_279 = arith.addf %scan3A_214, %mul3A_278 : vector<16xf32>
        %mul3A_280 = arith.constant 4 : i32
        %mul3A_281 = arith.muli %scan3A_211, %mul3A_280 : i32
        %add3A_282 = arith.constant 3 : i32
        %add3A_283 = arith.addi %mul3A_281, %add3A_282 : i32
        %mul3A_284 = arith.constant 16 : i32
        %mul3A_285 = arith.muli %add3A_283, %mul3A_284 : i32
        %multiple_of3A_286 = tpu.assume_multiple %mul3A_285, 16 : i32
        %add3A_287 = arith.constant 112 : i32
        %add3A_288 = arith.addi %add3A_287, %scan3A_200 : i32
        %get3A_289 = arith.index_cast %add3A_288 : i32 to index
        %get3A_290 = arith.index_cast %multiple_of3A_286 : i32 to index
        %get3A_291 = tpu.vector_load %arg8[%get3A_289, %get3A_290] {strides = array<i32>} : memref<128x512xf32, #tpu.memory_space<vmem>>, vector<1x16xf32>,
        %get3A_292 = vector.shape_cast %get3A_291 : vector<1x16xf32> to vector<16xf32>
        %add3A_293 = arith.constant 16 : i32
        %add3A_294 = arith.addi %add3A_293, %scan3A_200 : i32
        %get3A_295 = arith.index_cast %add3A_294 : i32 to index
        %get3A_296 = arith.index_cast %multiple_of3A_286 : i32 to index
        %get3A_297 = tpu.vector_load %arg7[%get3A_295, %get3A_296] {strides = array<i32>} : memref<48x512xf32, #tpu.memory_space<vmem>>, vector<1x16xf32>,
        %get3A_298 = vector.shape_cast %get3A_297 : vector<1x16xf32> to vector<16xf32>
        %sub3A_299 = arith.subf %get3A_292, %get3A_298 : vector<16xf32>
        %mul3A_300 = arith.mulf %sub3A_299, %sub3A_299 : vector<16xf32>
        %add3A_301 = arith.addf %scan3A_215, %mul3A_300 : vector<16xf32>
        scf.yield %add3A_235, %add3A_257, %add3A_279, %add3A_301 : vector<16xf32>, vector<16xf32>, vector<16xf32>, vector<16xf32>
      }
      %scan3A_210 = arith.constant 8 : i32
      scf.yield %scan3A_209#0, %scan3A_209#1, %scan3A_209#2, %scan3A_209#3 : vector<16xf32>, vector<16xf32>, vector<16xf32>, vector<16xf32>
    }
    %scan3A_190 = arith.constant 16 : i32
    %add3A_191 = arith.addf %scan3A_189#0, %scan3A_189#1 : vector<16xf32>
    %add3A_192 = arith.addf %add3A_191, %scan3A_189#2 : vector<16xf32>
    %add3A_193 = arith.addf %add3A_192, %scan3A_189#3 : vector<16xf32>
    %mul3A_194 = arith.constant 2.44140625E-4 : f32
    %mul3A_195 = vector.broadcast %mul3A_194 : f32 to vector<16xf32>
    %mul3A_196 = arith.mulf %add3A_193, %mul3A_195 : vector<16xf32>
    %swap3A = arith.constant 0 : index
    %swap3A_197 = tpu.vector_load %arg9[%swap3A] {strides = array<i32>} : memref<16xf32, #tpu.memory_space<vmem>>, vector<16xf32>,
    %swap3A_198 = vector.shape_cast %swap3A_197 : vector<16xf32> to vector<16xf32>
    %swap3A_199 = vector.shape_cast %mul3A_196 : vector<16xf32> to vector<16xf32>
    tpu.vector_store %arg9[%swap3A], %swap3A_199 {strides = array<i32>} : memref<16xf32, #tpu.memory_space<vmem>>, vector<16xf32>,
    "tpu.region"() ({
      %run_scoped3A = tpu.sem_alloc : memref<!tpu.dma_semaphore, #tpu.memory_space<semaphore_mem>>
      %dma_start3A_200 = arith.constant 0 : i32
      %dma_start3A_201 = tpu.memref_slice %arg5[%add3A, %dma_start3A_200] : memref<32x16xf32, #tpu.memory_space<hbm>> -> memref<1x16xf32, #tpu.memory_space<hbm>>
      %dma_start3A_202 = tpu.memref_squeeze %dma_start3A_201 : memref<1x16xf32, #tpu.memory_space<hbm>> -> memref<16xf32, #tpu.memory_space<hbm>>
      %dma_start3A_203 = arith.constant 0 : i32
      %dma_start3A_204 = tpu.memref_slice %arg5[%add3A, %dma_start3A_203] : memref<32x16xf32, #tpu.memory_space<hbm>> -> memref<1x16xf32, #tpu.memory_space<hbm>>
      %dma_start3A_205 = tpu.memref_squeeze %dma_start3A_204 : memref<1x16xf32, #tpu.memory_space<hbm>> -> memref<16xf32, #tpu.memory_space<hbm>>
      tpu.enqueue_dma source(%arg9 : memref<16xf32, #tpu.memory_space<vmem>>) target(%dma_start3A_205 : memref<16xf32, #tpu.memory_space<hbm>>) target_semaphore(%run_scoped3A : memref<!tpu.dma_semaphore, #tpu.memory_space<semaphore_mem>>)
      %dma_wait3A_206 = arith.constant 0 : i32
      %dma_wait3A_207 = tpu.memref_slice %arg5[%add3A, %dma_wait3A_206] : memref<32x16xf32, #tpu.memory_space<hbm>> -> memref<1x16xf32, #tpu.memory_space<hbm>>
      %dma_wait3A_208 = tpu.memref_squeeze %dma_wait3A_207 : memref<1x16xf32, #tpu.memory_space<hbm>> -> memref<16xf32, #tpu.memory_space<hbm>>
      %dma_wait3A_209 = arith.constant 0 : i32
      %dma_wait3A_210 = tpu.memref_slice %arg5[%add3A, %dma_wait3A_209] : memref<32x16xf32, #tpu.memory_space<hbm>> -> memref<1x16xf32, #tpu.memory_space<hbm>>
      %dma_wait3A_211 = tpu.memref_squeeze %dma_wait3A_210 : memref<1x16xf32, #tpu.memory_space<hbm>> -> memref<16xf32, #tpu.memory_space<hbm>>
      tpu.wait_dma2 semaphore(%run_scoped3A : memref<!tpu.dma_semaphore, #tpu.memory_space<semaphore_mem>>) src(%arg9 : memref<16xf32, #tpu.memory_space<vmem>>) dst(%dma_wait3A_211 : memref<16xf32, #tpu.memory_space<hbm>>)
      tpu.yield
    }) : () -> ()
    return
  }
}

</mosaic_0001>

<sc_bundles>
// kernel: kernel.3.cloned.1.call-start
scs
__scs_entry_jumppad:
0x0: {  	(pc) =	sbr.rel $0x88, $3  }
0x1: {  	(tag) =	ssettag $0x0;
	lr =	simm.s32 $0x1  }
0x2: {  	[smem:$0x3F9E] =	sst lr;
	_ =	strace $0xD0000000  }
0x3: {  	_ = 	snop  }
0x4: {  	_ = 	snop  }
0x5: {  	_ = 	snop  }
0x6: {  	_ = 	snop  }
0x7: {  	_ = 	snop  }
__scs_overlays_trampoline_lowered:
0x8: {  	[smem:$0x3FAD] =	sst s0  }
0x9: {  	[smem:$0x3FAE] =	sst s1  }
0xa: {  	[smem:$0x3FAF] =	sst s2  }
0xb: {  	[smem:$0x3FB0] =	sst s3  }
0xc: {  	[smem:$0x3FB1] =	sst s4  }
0xd: {  	[smem:$0x3FB2] =	sst s5  }
0xe: {  	[smem:$0x3FB3] =	sst s6  }
0xf: {  	[smem:$0x3FB4] =	sst s7  }
0x10: {  	[smem:$0x3FB5] =	sst s8  }
0x11: {  	[smem:$0x3FB6] =	sst s9;
	s0 =	simm.s32 @!p0 $0x0  }
0x12: {  	s1 =	sld [smem:$0x3F9C];
	s0 =	simm.s32 @p0 $0x1  }
0x13: {  	[smem:$0x3FB7] =	sst s0;
	s0 =	simm.s32 @!p1 $0x0  }
0x14: {  	s2 =	sld [smem:$0x3F9B];
	s0 =	simm.s32 @p1 $0x1  }
0x15: {  	[smem:$0x3FB8] =	sst s0;
	s0 =	simm.s32 @!p2 $0x0  }
0x16: {  	s3 =	sld [smem:$0x3FDB];
	s0 =	simm.s32 @p2 $0x1  }
0x17: {  	s4 =	simm.s32 $0x1BF5;
	[smem:$0x3FBA] =	sst s0  }
0x18: {  	s0 =	sld [smem:$0x3F9D];
	_ =	swait.ge [sflag:s4], $0x0  }
0x19: {  	s7 =	sld [smem:$0x3F9E]  }
0x1a: {  	s8 =	sadd.s32 $0xFFFFE003, lr  }
0x1b: {  	s9 =	sadd.s32 $0xFFFFFEF7, lr;
	s5 =	simm.s32 $0xFFFFFFFF;
	p2 =	slt.u32 s8, $0xFFFFF086  }
0x1c: {  	p1 =	slt.u32 s9, $0xF7A;
	s5 =	simm.s32 @!p2 $0x0  }
0x1d: {  	s5 =	simm.s32 @p1 $0x1;
	p0 =	seq.s32 s7, s2  }
0x1e: {  	s7 =	smul.u32 @!p0 $0xF7A, s2;
	p2 =	seq.s32 @!p0 s5, $0x0  }
0x1f: {  	s9 =	smul.u32 $0xF7A, s1;
	s8 =	simm.s32 @!p0 $0x1BF5;
	p2 =	por !p2, p0  }
0x20: {  	[sflag:s8] =	ssyncset.s32 @!p0 $0xFFFFF086;
	s6 =	sadd.s32 @!p0 s3, s7;
	s7 =	simm.s32 @!p0 $0x108  }
0x21: {  	s3 =	sadd.s32 s3, s9;
	s6 =	sadd.s32 @!p0 $0x88, s6;
	s7 =	simm.s32 @p2 $0x1082  }
0x22: {  	[simem:s7], [sflag:s8] =	dma.local @!p0 [hbm:s6], $0xF7A  }
0x23: {  	s9 =	sor.u32 $0xD0000000, s2;
	s6 =	simm.s32 $0x108;
	_ =	swait.ge @!p0 [sflag:s8], $0x0  }
0x24: {  	s3 =	sadd.s32 $0x88, s3;
	s6 =	simm.s32 @!p1 $0x1082;
	[sflag:s4] =	ssyncset.s32 $0xFFFFF086  }
0x25: {  	[simem:s6], [sflag:s4] =	dma.local [hbm:s3], $0xF7A  }
0x26: {  	[smem:$0x3F9E] =	sst s1;
	(tag) =	ssettag s2;
	_ =	strace s9  }
0x27: {  	s1 =	sld [smem:$0x3FAE]  }
0x28: {  	s2 =	sld [smem:$0x3FAF]  }
0x29: {  	s4 =	sld [smem:$0x3FB1]  }
0x2a: {  	p0 =	seq.s32 s5, $0x0;
	s5 =	sld [smem:$0x3FB2]  }
0x2b: {  	s6 =	sld [smem:$0x3FB3]  }
0x2c: {  	s7 =	sld [smem:$0x3FB4]  }
0x2d: {  	s3 =	simm.s32 $0x108;
	s8 =	sld [smem:$0x3FB5]  }
0x2e: {  	s3 =	simm.s32 @!p0 $0x1082;
	s9 =	sld [smem:$0x3FB6]  }
0x2f: {  	lr =	sadd.s32 s0, s3;
	s0 =	sld [smem:$0x3FAD]  }
0x30: {  	s3 =	sld [smem:$0x3FB0]  }
0x31: {  	[smem:$0x3FB9] =	sst s10  }
0x32: {  	s10 =	sld [smem:$0x3FB7];
	_ =	sdelay $0x3  }
0x33: {  	p0 =	seq.s32 s10, $0x1;
	s10 =	sld [smem:$0x3FB9];
	_ =	sdelay $0x3  }
0x34: {  	[smem:$0x3FB9] =	sst s10  }
0x35: {  	s10 =	sld [smem:$0x3FB8];
	_ =	sdelay $0x3  }
0x36: {  	p1 =	seq.s32 s10, $0x1;
	s10 =	sld [smem:$0x3FB9];
	_ =	sdelay $0x3  }
0x37: {  	[smem:$0x3FB9] =	sst s10  }
0x38: {  	s10 =	sld [smem:$0x3FBA]  }
0x39: {  	_ = 	snop;
	(pc) =	sbr.ind lr, $3  }
0x3a: {  	_ = 	snop  }
0x3b: {  	_ = 	snop  }
0x3c: {  	p2 =	seq.s32 s10, $0x1;
	s10 =	sld [smem:$0x3FB9]  }
0x3d: {  	_ =	shalt  }
0x3e: {  	_ =	shalt  }
0x3f: {  	_ =	shalt  }
0x40: {  	_ =	shalt  }
0x41: {  	_ =	shalt  }
0x42: {  	_ =	shalt  }
0x43: {  	_ =	shalt  }
0x44: {  	_ =	shalt  }
0x45: {  	_ =	shalt  }
0x46: {  	_ =	shalt  }
0x47: {  	_ =	shalt  }
0x48: {  	_ =	shalt  }
0x49: {  	_ =	shalt  }
0x4a: {  	_ =	shalt  }
0x4b: {  	_ =	shalt  }
0x4c: {  	_ =	shalt  }
0x4d: {  	_ =	shalt  }
0x4e: {  	_ =	shalt  }
0x4f: {  	_ =	shalt  }
0x50: {  	_ =	shalt  }
0x51: {  	_ =	shalt  }
0x52: {  	_ =	shalt  }
0x53: {  	_ =	shalt  }
0x54: {  	_ =	shalt  }
0x55: {  	_ =	shalt  }
0x56: {  	_ =	shalt  }
0x57: {  	_ =	shalt  }
0x58: {  	_ =	shalt  }
0x59: {  	_ =	shalt  }
0x5a: {  	_ =	shalt  }
0x5b: {  	_ =	shalt  }
0x5c: {  	_ =	shalt  }
0x5d: {  	_ =	shalt  }
0x5e: {  	_ =	shalt  }
0x5f: {  	_ =	shalt  }
0x60: {  	_ =	shalt  }
0x61: {  	_ =	shalt  }
0x62: {  	_ =	shalt  }
0x63: {  	_ =	shalt  }
0x64: {  	_ =	shalt  }
0x65: {  	_ =	shalt  }
0x66: {  	_ =	shalt  }
0x67: {  	_ =	shalt  }
0x68: {  	_ =	shalt  }
0x69: {  	_ =	shalt  }
0x6a: {  	_ =	shalt  }
0x6b: {  	_ =	shalt  }
0x6c: {  	_ =	shalt  }
0x6d: {  	_ =	shalt  }
0x6e: {  	_ =	shalt  }
0x6f: {  	_ =	shalt  }
0x70: {  	_ =	shalt  }
0x71: {  	_ =	shalt  }
0x72: {  	_ =	shalt  }
0x73: {  	_ =	shalt  }
0x74: {  	_ =	shalt  }
0x75: {  	_ =	shalt  }
0x76: {  	_ =	shalt  }
0x77: {  	_ =	shalt  }
0x78: {  	_ =	shalt  }
0x79: {  	_ =	shalt  }
0x7a: {  	_ =	shalt  }
0x7b: {  	_ =	shalt  }
0x7c: {  	_ =	shalt  }
0x7d: {  	_ =	shalt  }
0x7e: {  	_ =	shalt  }
0x7f: {  	_ =	shalt  }
0x80: {  	_ =	shalt  }
0x81: {  	_ =	shalt  }
0x82: {  	_ =	shalt  }
0x83: {  	_ =	shalt  }
0x84: {  	_ =	shalt  }
0x85: {  	_ =	shalt  }
0x86: {  	_ =	shalt  }
0x87: {  	_ =	shalt  }
.Lfunc_end0:
.L_simem_size_0:
called_computation_lowered:
.L_overlay_start_0:
0x88: {  	s2 =	sld [smem:$0x3FD9]  }
0x89: {  	s3 =	sld [smem:$0x3FFE];
	_ =	sdelay $0x1  }
0x8a: {  	s1 =	srdreg.scid  }
0x8b: {  	s0 =	sand.u32 $0x1, s1  }
0x8c: {  	s17 =	sshll.u32 s0, $0xA;
	s2 =	sadd.s32 s3, s2  }
0x8d: {  	s2 =	sadd.s32 s2, s17  }
0x8e: {  	[smem:$0x3FC5] =	sst s2  }
0x8f: {  	_ = 	snop  }
0x90: {  	s2 =	sld [smem:$0x3FC9]  }
0x91: {  	s18 =	sld [smem:$0x3FC8]  }
0x92: {  	s4 =	sld [smem:$0x3FC7];
	(tm) =	ssettm $0x1  }
0x93: {  	s5 =	sld [smem:$0x3FFB];
	_ =	sdelay $0x3  }
0x94: {  	_ =	strace s5  }
0x95: {  	s5 =	sld [smem:$0x3FFC];
	_ =	sdelay $0x3  }
0x96: {  	_ =	strace s5  }
0x97: {  	s5 =	sld [smem:$0x3FFD];
	_ =	sdelay $0x3  }
0x98: {  	_ =	strace s5  }
0x99: {  	_ =	strace $0x8FFFFFFF  }
0x9a: {  	s19 =	sld [smem:$0x3FDB];
	_ =	sdelay $0x1  }
0x9b: {  	s6 =	simm.s32 $_scs_section_size  }
0x9c: {  	s7 =	simm.s32 $_size__tile_overlayer_lowered;
	s8 =	simm.s32 $_tile_overlayer_lowered  }
0x9d: {  	s22 =	simm.s32 $0x1BFF;
	s21 =	sshll.u32 s8, $0x1;
	s5 =	sadd.s32 s6, s19  }
0x9e: {  	s9 =	simm.s32 $0x0;
	s20 =	sshll.u32 s7, $0x1;
	s7 =	sadd.s32 s21, s5  }
0x9f: {  	[timem:s9], [sflag:s22] =	dma.local [hbm:s7], s20  }
0xa0: {  	_ =	swait.ge [sflag:s22], s20  }
0xa1: {  	s6 =	ssub.s32 $0x0, s20;
	[sflag:s22] =	ssyncset.done $0x0  }
0xa2: {  	[sflag:s22] =	ssyncadd.s32 s6;
	_ =	sdelay $0x1  }
0xa3: {  	s23 =	simm.s32 $0x1B8B  }
0xa4: {  	_ =	swait.ge [sflag:s23], $0x1  }
0xa5: {  	[sflag:s23] =	ssyncset.done $0x0  }
0xa6: {  	s25 =	simm.s32 $0x1B8E;
	s24 =	sld [smem:$0x3FFE];
	[sflag:s23] =	ssyncadd.s32 $0xFFFFFFFF  }
0xa7: {  	s26 =	simm.s32 $execute0_lowered;
	[smem:$0x3FD2] =	sst s25  }
0xa8: {  	s7 =	sshll.u32 s26, $0x1;
	_ =	strace $0x80000046;
	[dreg:$0x1] =	wrdreg $0xFFFFFFFF  }
0xa9: {  	s28 =	simm.s32 $_size_execute0_lowered;
	s5 =	sadd.s32 s5, s7;
	[dreg:$0x0] =	wrdreg $0x0  }
0xaa: {  	s7 =	sshll.u32 s28, $0x1;
	[dreg:$0x2] =	wrdreg s5  }
0xab: {  	[dreg:$0x3] =	wrdreg s7  }
0xac: {  	[dreg:$0x4] =	wrdreg $0xC0  }
0xad: {  	_ =	task [dreg:s9], $0x5FFFF  }
0xae: {  	[dreg:$0x1] =	wrdreg $0xFFFFFFFF  }
0xaf: {  	[dreg:$0x0] =	wrdreg $0x60  }
0xb0: {  	[dreg:$0x2] =	wrdreg s2  }
0xb1: {  	[dreg:$0x3] =	wrdreg s18  }
0xb2: {  	[dreg:$0x4] =	wrdreg s4  }
0xb3: {  	[dreg:$0x5] =	wrdreg s24  }
0xb4: {  	[dreg:$0x6] =	wrdreg $0x9  }
0xb5: {  	_ =	task.clear_ibuf [dreg:s9], $0x7FFFF;
	_ =	strace $0x90000046  }
0xb6: {  	s29 =	simm.s32 $0x9;
	_ =	strace $0x80000048  }
0xb7: {  	_ =	swait.ge [sflag:s29], $0x1  }
0xb8: {  	[sflag:s29] =	ssyncadd.s32 $0xFFFFFFFF  }
0xb9: {  	_ =	strace $0x90000048  }
0xba: {  	_ =	sfence  }
0xbb: {  	s30 =	sld [smem:$0x0];
	_ =	sdelay $0x2  }
0xbc: {  	s31 =	sshll.u32 s1, $0xD;
	s1 =	sshrl.u32 s1, $0x2  }
0xbd: {  	s3 =	sand.u32 $0x4000, s31;
	s1 =	sadd.s32 s1, s30  }
0xbe: {  	s0 =	sor.u32 s3, s0;
	s1 =	sshll.u32 s1, $0x11  }
0xbf: {  	s0 =	sor.u32 s1, s0  }
0xc0: {  	s0 =	sadd.s32 $0x8F2B, s0  }
0xc1: {  	[sflag:s0] =	ssyncadd.remote.s32 $0x1  }
0xc2: {  	_ =	sfence.sel $0xFFFF  }
0xc3: {  	[dreg:$0x0] =	wrdreg $0xFFFFFFFF;
	(pc) =	sbr.abs _section_cstart, $3  }
0xc4: {  	[dreg:$0x1] =	wrdreg $0xFFFFFFFF  }
0xc5: {  	_ =	task.clear_ibuf [dreg:s9], $0x2FFFF;
	_ =	strace $0x9FFFFFFF  }
0xc6: {  	(tm) =	ssettm $0x7FFFFFFF  }
0xc7: {  	_ =	shalt  }
tec
execute0_lowered:
.L_overlay_start_1:
0x0: {  	(tag) =	ssettag $0x1  }
0x1: {  	s0 =	rddreg [dreg:$0x0]  }
0x2: {  	s1 =	rddreg [dreg:$0x1]  }
0x3: {  	s2 =	rddreg [dreg:$0x2]  }
0x4: {  	s7 =	rddreg [dreg:$0x3]  }
0x5: {  	s4 =	srdreg.scid;
	s5 =	stileid.u32;
	s3 =	simm.s32 $0x0  }
0x6: {  	s10 =	simm.s32 $0x5;
	s11 =	simm.s32 $0x80;
	s12 =	simm.s32 $0x880  }
0x7: {  	s13 =	simm.s32 $0x1080;
	s14 =	simm.s32 $0x1880;
	s15 =	simm.s32 $0x2080  }
0x8: {  	s16 =	simm.s32 $0x2880;
	s17 =	simm.s32 $0x3080;
	s18 =	simm.s32 $0x3880  }
0x9: {  	s19 =	simm.s32 $0x4;
	s20 =	simm.s32 $0x4080;
	s21 =	simm.s32 $0x4880  }
0xa: {  	s22 =	simm.s32 $0x5080;
	s23 =	simm.s32 $0x5880;
	s24 =	simm.s32 $0x1  }
0xb: {  	s25 =	simm.s32 $0x2;
	s26 =	simm.s32 $0x3;
	s29 =	simm.s32 $0x0  }
0xc: {  	v2 =	vlaneseq.u32;
	s4 =	sand.u32 $0x1, s4;
	s5 =	sshll.u32 s5, $0x1;
	[smem:$0x7FF] =	sst s3  }
0xd: {  	v0 =	vand.u32 $0x7, v2;
	v1 =	vshrl.u32 v2, $0x3;
	s6 =	ssub.s32 $0x2, s4;
	s5 =	sor.u32 s4, s5;
	_ =	strace $0x80000047  }
0xe: {  	v2 =	vor.u32 $0x8, v2;
	v1 =	vmul.u32 $0x8, v1;
	[tilespmem:$0x1FFD0] =	vst v0;
	s30 =	sshrl.u32 s6, $0x1;
	s8 =	sshll.u32 s5, $0xD;
	s31 =	sshll.u32 s5, $0x4  }
0xf: {  	[tilespmem:$0x1FFF0] =	vst v2;
	s9 =	ssub.s32 s6, s30;
	s4 =	sadd.s32 s0, s8;
	s5 =	sadd.s32 s1, s31  }
0x10: {  	vm0 =	vmmov $0xffff;
	s6 =	sadd.s32 $0x100, s2;
	s7 =	sadd.s32 s7, s31;
	[tilespmem:$0x1FFE0] =	vst v1;
	s8 =	smax.u32 s9, $0x1  }
.LBB2_1:
0x11: {  	s0 =	simm.s32 $0x6080  }
0x12: {  	[tilespmem:s0], [sflag:$0x4] =	stream.linear.gather [hbm4b:s4+s3], $0x10000, $0x38;
	[tilespmem:$0x16100] =	vst v63  }
0x13: {  	_ = 	snop  }
0x14: {  	[tilespmem:s3], [sflag:$0x5] =	stream.linear.gather [hbm4b:s5+s3], $0x80, $0x38;
	[tilespmem:$0x16100] =	vst v63  }
0x15: {  	_ =	swait.ge [sflag:s10], $0x80  }
0x16: {  	[sflag:s10] =	ssyncset.done $0x0  }
0x17: {  	[sflag:s10] =	ssyncadd.s32 $0xFFFFFF80  }
0x18: {  	v3 =	vld [tilespmem:$0x0];
	_ =	sdelay $0x4  }
0x19: {  	v4 =	vshll.u32 v3, $0x2  }
0x1a: {  	v3 =	vand.u32 $0x7, v3;
	v4 =	vand.u32 $0xFFFFFFE0, v4  }
0x1b: {  	v3 =	vor.u32 v3, v4  }
0x1c: {  	v4 =	vperm.xlane v3, v0;
	_ =	sdelay $0x1  }
0x1d: {  	v4 =	vadd.s32 v1, v4;
	_ =	sdelay $0x1  }
0x1e: {  	v3 =	vperm.xlane v3, v2;
	_ =	sdelay $0x1  }
0x1f: {  	v3 =	vadd.s32 v1, v3  }
0x20: {  	[tilespmem:s11], [sflag:$0x1] =	stream.indirect_vreg.gather [hbm4b:s2+s3], $0x80, v4, vm0, $0xb8;
	[tilespmem:$0x16100] =	vst v63  }
0x21: {  	_ = 	snop  }
0x22: {  	[tilespmem:s12], [sflag:$0x1] =	stream.indirect_vreg.gather [hbm4b:s6+s3], $0x80, v4, vm0, $0xb8;
	[tilespmem:$0x16100] =	vst v63  }
0x23: {  	_ = 	snop  }
0x24: {  	[tilespmem:s13], [sflag:$0x1] =	stream.indirect_vreg.gather [hbm4b:s2+s3], $0x80, v3, vm0, $0xb8;
	[tilespmem:$0x16100] =	vst v63  }
0x25: {  	_ = 	snop  }
0x26: {  	[tilespmem:s14], [sflag:$0x1] =	stream.indirect_vreg.gather [hbm4b:s6+s3], $0x80, v3, vm0, $0xb8;
	[tilespmem:$0x16100] =	vst v63  }
0x27: {  	v3 =	vld [tilespmem:$0x10];
	_ =	sdelay $0x4  }
0x28: {  	v4 =	vshll.u32 v3, $0x2  }
0x29: {  	v3 =	vand.u32 $0x7, v3;
	v4 =	vand.u32 $0xFFFFFFE0, v4  }
0x2a: {  	v3 =	vor.u32 v3, v4  }
0x2b: {  	v4 =	vperm.xlane v3, v0;
	_ =	sdelay $0x1  }
0x2c: {  	v4 =	vadd.s32 v1, v4;
	_ =	sdelay $0x1  }
0x2d: {  	v3 =	vperm.xlane v3, v2;
	_ =	sdelay $0x1  }
0x2e: {  	v3 =	vadd.s32 v1, v3  }
0x2f: {  	[tilespmem:s15], [sflag:$0x2] =	stream.indirect_vreg.gather [hbm4b:s2+s3], $0x80, v4, vm0, $0xb8;
	[tilespmem:$0x16100] =	vst v63  }
0x30: {  	_ = 	snop  }
0x31: {  	[tilespmem:s16], [sflag:$0x2] =	stream.indirect_vreg.gather [hbm4b:s6+s3], $0x80, v4, vm0, $0xb8;
	[tilespmem:$0x16100] =	vst v63  }
0x32: {  	_ = 	snop  }
0x33: {  	[tilespmem:s17], [sflag:$0x2] =	stream.indirect_vreg.gather [hbm4b:s2+s3], $0x80, v3, vm0, $0xb8;
	[tilespmem:$0x16100] =	vst v63  }
0x34: {  	_ = 	snop  }
0x35: {  	[tilespmem:s18], [sflag:$0x2] =	stream.indirect_vreg.gather [hbm4b:s6+s3], $0x80, v3, vm0, $0xb8;
	[tilespmem:$0x16100] =	vst v63  }
0x36: {  	_ =	swait.ge [sflag:s19], $0x10000  }
0x37: {  	[sflag:s19] =	ssyncset.done $0x0  }
0x38: {  	[sflag:s19] =	ssyncadd.s32 $0xFFFF0000  }
0x39: {  	v3 =	vld [tilespmem:$0x20];
	_ =	sdelay $0x4  }
0x3a: {  	v4 =	vshll.u32 v3, $0x2  }
0x3b: {  	v3 =	vand.u32 $0x7, v3;
	v4 =	vand.u32 $0xFFFFFFE0, v4  }
0x3c: {  	v3 =	vor.u32 v3, v4  }
0x3d: {  	v4 =	vperm.xlane v3, v0;
	_ =	sdelay $0x1  }
0x3e: {  	v4 =	vadd.s32 v1, v4;
	_ =	sdelay $0x1  }
0x3f: {  	v3 =	vperm.xlane v3, v2;
	_ =	sdelay $0x1  }
0x40: {  	v3 =	vadd.s32 v1, v3  }
0x41: {  	[tilespmem:s20], [sflag:$0x3] =	stream.indirect_vreg.gather [hbm4b:s2+s3], $0x80, v4, vm0, $0xb8;
	[tilespmem:$0x16100] =	vst v63  }
0x42: {  	_ = 	snop  }
0x43: {  	[tilespmem:s21], [sflag:$0x3] =	stream.indirect_vreg.gather [hbm4b:s6+s3], $0x80, v4, vm0, $0xb8;
	[tilespmem:$0x16100] =	vst v63  }
0x44: {  	_ = 	snop  }
0x45: {  	[tilespmem:s22], [sflag:$0x3] =	stream.indirect_vreg.gather [hbm4b:s2+s3], $0x80, v3, vm0, $0xb8;
	[tilespmem:$0x16100] =	vst v63  }
0x46: {  	_ = 	snop  }
0x47: {  	[tilespmem:s23], [sflag:$0x3] =	stream.indirect_vreg.gather [hbm4b:s6+s3], $0x80, v3, vm0, $0xb8;
	[tilespmem:$0x16100] =	vst v63  }
0x48: {  	_ =	swait.ge [sflag:s24], $0x2000  }
0x49: {  	v5 =	vimm.f32 $0.0e+00;
	[sflag:s24] =	ssyncset.done $0x0  }
0x4a: {  	v6 =	vimm.f32 $0.0e+00;
	s0 =	simm.s32 $0x0;
	v4 =	vimm.f32 $0.0e+00;
	v3 =	vimm.f32 $0.0e+00;
	[sflag:s24] =	ssyncadd.s32 $0xFFFFE000  }
.LBB2_2:
0x4b: {  	s1 =	sshll.u32 s0, $0x9;
	s9 =	sshll.u32 s0, $0x7  }
0x4c: {  	s20 =	simm.s32 $0x0;
	s1 =	sand.u32 $0x1000, s1;
	s9 =	sand.u32 $0x380, s9  }
0x4d: {  	s21 =	sand.u32 $0x40, s20;
	s1 =	sor.u32 s1, s9  }
0x4e: {  	s20 =	sand.u32 $0xC00, s20;
	s9 =	sor.u32 s21, s1  }
0x4f: {  	s9 =	sor.u32 s20, s9  }
0x50: {  	v7 =	vld [tilespmem:s9+$0x60B0]  }
0x51: {  	v8 =	vld [tilespmem:s9+$0xB0]  }
0x52: {  	v9 =	vld [tilespmem:s9+$0x6080]  }
0x53: {  	v10 =	vld [tilespmem:s9+$0x80]  }
0x54: {  	s21 =	simm.s32 $0x40;
	v11 =	vld [tilespmem:s9+$0x6090]  }
0x55: {  	s20 =	sand.u32 $0x40, s21;
	s21 =	simm.s32 $0x200;
	v12 =	vld [tilespmem:s9+$0x90]  }
0x56: {  	s21 =	sand.u32 $0xC00, s21;
	s20 =	sor.u32 s20, s1;
	v13 =	vld [tilespmem:s9+$0x60A0]  }
0x57: {  	v14 =	vld [tilespmem:s9+$0xA0];
	s30 =	sor.u32 s21, s20  }
0x58: {  	v15 =	vld [tilespmem:s30+$0x60B0]  }
0x59: {  	v16 =	vld [tilespmem:s30+$0xB0];
	v8 =	vsub.f32 v7, v8;
	v9 =	vsub.f32 v9, v10  }
0x5a: {  	v7 =	vld [tilespmem:s30+$0x6080];
	v10 =	vsub.f32 v11, v12  }
0x5b: {  	v11 =	vmul.f32 v8, v8;
	v12 =	vmul.f32 v9, v9;
	v9 =	vld [tilespmem:s30+$0x80]  }
0x5c: {  	s21 =	simm.s32 $0x80;
	v13 =	vsub.f32 v13, v14;
	v8 =	vld [tilespmem:s30+$0x6090];
	v14 =	vmul.f32 v10, v10  }
0x5d: {  	s31 =	simm.s32 $0x400;
	s9 =	sand.u32 $0x40, s21;
	v10 =	vld [tilespmem:s30+$0x90];
	v5 =	vadd.f32 v11, v5;
	v6 =	vadd.f32 v12, v6  }
0x5e: {  	s28 =	sand.u32 $0xC00, s31;
	s20 =	sor.u32 s9, s1;
	s9 =	simm.s32 $0xC0;
	v13 =	vmul.f32 v13, v13;
	v11 =	vld [tilespmem:s30+$0x60A0];
	v12 =	vsub.f32 v15, v16;
	v4 =	vadd.f32 v14, v4  }
.LBB2_3:
0x5f: {  	p0 =	sne.s32 s9, $0x1C0;
	v14 =	vld [tilespmem:s30+$0xA0];
	s30 =	sor.u32 s28, s20  }
0x60: {  	v15 =	vld [tilespmem:s30+$0x60B0];
	v9 =	vsub.f32 v7, v9;
	v12 =	vmul.f32 v12, v12;
	v3 =	vadd.f32 v13, v3  }
0x61: {  	v13 =	vld [tilespmem:s30+$0xB0]  }
.Ltmp0:
0x62: {  	v7 =	vld [tilespmem:s30+$0x6080];
	v16 =	vmul.f32 v9, v9;
	v10 =	vsub.f32 v8, v10;
	v5 =	vadd.f32 v12, v5;
	(pc) =	sbr.rel @p0 .LBB2_3-.Ltmp0, $4  }
0x63: {  	v9 =	vld [tilespmem:s30+$0x80]  }
0x64: {  	v8 =	vld [tilespmem:s30+$0x6090];
	v6 =	vadd.f32 v16, v6;
	v16 =	vmul.f32 v10, v10;
	v14 =	vsub.f32 v11, v14  }
0x65: {  	s20 =	sand.u32 $0x40, s9;
	s31 =	sadd.s32 $0x200, s31;
	v10 =	vld [tilespmem:s30+$0x90]  }
0x66: {  	s9 =	sadd.s32 $0x40, s9;
	s28 =	sand.u32 $0xC00, s31;
	s20 =	sor.u32 s20, s1;
	v11 =	vld [tilespmem:s30+$0x60A0];
	v12 =	vsub.f32 v15, v13;
	v4 =	vadd.f32 v16, v4;
	v13 =	vmul.f32 v14, v14  }
0x67: {  	s1 =	sor.u32 s28, s20;
	v14 =	vld [tilespmem:s30+$0xA0]  }
0x68: {  	v15 =	vld [tilespmem:s1+$0x60B0]  }
0x69: {  	v16 =	vld [tilespmem:s1+$0xB0]  }
0x6a: {  	v17 =	vld [tilespmem:s1+$0x6080]  }
0x6b: {  	v18 =	vld [tilespmem:s1+$0x80]  }
0x6c: {  	v19 =	vld [tilespmem:s1+$0x6090]  }
0x6d: {  	v20 =	vld [tilespmem:s1+$0x90]  }
0x6e: {  	v7 =	vsub.f32 v7, v9;
	v59 =	vld [tilespmem:s1+$0x60A0]  }
0x6f: {  	v12 =	vmul.f32 v12, v12;
	v21 =	vld [tilespmem:s1+$0xA0]  }
0x70: {  	v3 =	vadd.f32 v13, v3;
	v7 =	vmul.f32 v7, v7  }
0x71: {  	v8 =	vsub.f32 v8, v10;
	v5 =	vadd.f32 v12, v5  }
0x72: {  	s0 =	sadd.s32 $0x1, s0;
	v6 =	vadd.f32 v7, v6;
	v7 =	vsub.f32 v11, v14  }
0x73: {  	p0 =	sne.s32 s0, $0x10;
	v8 =	vmul.f32 v8, v8;
	v60 =	vsub.f32 v15, v16;
	v61 =	vsub.f32 v17, v18  }
.Ltmp1:
0x74: {  	v62 =	vsub.f32 v19, v20;
	v9 =	vsub.f32 v59, v21;
	v7 =	vmul.f32 v7, v7;
	(pc) =	sbr.rel @p0 .LBB2_2-.Ltmp1, $4  }
0x75: {  	v4 =	vadd.f32 v8, v4;
	v8 =	vmul.f32 v60, v60;
	v63 =	vmul.f32 v61, v61  }
0x76: {  	v9 =	vmul.f32 v9, v9;
	v3 =	vadd.f32 v7, v3;
	v7 =	vmul.f32 v62, v62  }
0x77: {  	v5 =	vadd.f32 v8, v5;
	v6 =	vadd.f32 v63, v6  }
0x78: {  	v4 =	vadd.f32 v7, v4;
	v3 =	vadd.f32 v9, v3  }
0x79: {  	v7 =	vld [tilespmem:$0x30];
	_ =	sdelay $0x4  }
0x7a: {  	v8 =	vshll.u32 v7, $0x2  }
0x7b: {  	v7 =	vand.u32 $0x7, v7;
	v8 =	vand.u32 $0xFFFFFFE0, v8  }
0x7c: {  	v7 =	vor.u32 v7, v8  }
0x7d: {  	v8 =	vperm.xlane v7, v0;
	_ =	sdelay $0x1  }
0x7e: {  	v8 =	vadd.s32 v1, v8;
	_ =	sdelay $0x1  }
0x7f: {  	v7 =	vperm.xlane v7, v2;
	_ =	sdelay $0x1  }
0x80: {  	s0 =	simm.s32 $0x0;
	v7 =	vadd.s32 v1, v7  }
0x81: {  	[tilespmem:s11], [sflag:$0x1] =	stream.indirect_vreg.gather [hbm4b:s2+s0], $0x80, v8, vm0, $0xb8;
	[tilespmem:$0x16100] =	vst v63  }
0x82: {  	_ = 	snop  }
0x83: {  	[tilespmem:s12], [sflag:$0x1] =	stream.indirect_vreg.gather [hbm4b:s6+s0], $0x80, v8, vm0, $0xb8;
	[tilespmem:$0x16100] =	vst v63  }
0x84: {  	_ = 	snop  }
0x85: {  	[tilespmem:s13], [sflag:$0x1] =	stream.indirect_vreg.gather [hbm4b:s2+s0], $0x80, v7, vm0, $0xb8;
	[tilespmem:$0x16100] =	vst v63  }
0x86: {  	_ = 	snop  }
0x87: {  	[tilespmem:s14], [sflag:$0x1] =	stream.indirect_vreg.gather [hbm4b:s6+s0], $0x80, v7, vm0, $0xb8;
	[tilespmem:$0x16100] =	vst v63  }
0x88: {  	_ =	swait.ge [sflag:s25], $0x2000  }
0x89: {  	[sflag:s25] =	ssyncset.done $0x0  }
0x8a: {  	s1 =	simm.s32 $0x0;
	[sflag:s25] =	ssyncadd.s32 $0xFFFFE000  }
.LBB2_6:
0x8b: {  	s9 =	sshll.u32 s1, $0x9;
	s20 =	sshll.u32 s1, $0x7  }
0x8c: {  	s9 =	sand.u32 $0x1000, s9;
	s20 =	sand.u32 $0x380, s20  }
0x8d: {  	s30 =	sor.u32 s20, s9;
	s20 =	sand.u32 $0x40, s0  }
0x8e: {  	s21 =	sand.u32 $0xC00, s0;
	s9 =	sor.u32 s20, s30  }
0x8f: {  	s9 =	sor.u32 s21, s9  }
0x90: {  	v7 =	vld [tilespmem:s9+$0x80B0]  }
0x91: {  	v8 =	vld [tilespmem:s9+$0x20B0]  }
0x92: {  	v9 =	vld [tilespmem:s9+$0x8080]  }
0x93: {  	v10 =	vld [tilespmem:s9+$0x2080]  }
0x94: {  	s21 =	simm.s32 $0x40;
	v11 =	vld [tilespmem:s9+$0x8090]  }
0x95: {  	s20 =	sand.u32 $0x40, s21;
	v12 =	vld [tilespmem:s9+$0x2090];
	s21 =	simm.s32 $0x200  }
0x96: {  	v13 =	vld [tilespmem:s9+$0x80A0];
	s21 =	sand.u32 $0xC00, s21;
	s20 =	sor.u32 s20, s30  }
0x97: {  	v14 =	vld [tilespmem:s9+$0x20A0];
	s31 =	sor.u32 s21, s20  }
0x98: {  	v15 =	vld [tilespmem:s31+$0x80B0]  }
0x99: {  	v16 =	vld [tilespmem:s31+$0x20B0];
	v8 =	vsub.f32 v7, v8;
	v9 =	vsub.f32 v9, v10  }
0x9a: {  	v7 =	vld [tilespmem:s31+$0x8080];
	v10 =	vsub.f32 v11, v12  }
0x9b: {  	v11 =	vmul.f32 v8, v8;
	v12 =	vmul.f32 v9, v9;
	v9 =	vld [tilespmem:s31+$0x2080]  }
0x9c: {  	s21 =	simm.s32 $0x80;
	v13 =	vsub.f32 v13, v14;
	v8 =	vld [tilespmem:s31+$0x8090];
	v14 =	vmul.f32 v10, v10  }
0x9d: {  	s9 =	simm.s32 $0x400;
	s21 =	sand.u32 $0x40, s21;
	v10 =	vld [tilespmem:s31+$0x2090];
	v5 =	vadd.f32 v11, v5;
	v6 =	vadd.f32 v12, v6  }
0x9e: {  	s28 =	simm.s32 $0xC0;
	s20 =	sand.u32 $0xC00, s9;
	s21 =	sor.u32 s21, s30;
	v13 =	vmul.f32 v13, v13;
	v11 =	vld [tilespmem:s31+$0x80A0];
	v12 =	vsub.f32 v15, v16;
	v4 =	vadd.f32 v14, v4  }
.LBB2_7:
0x9f: {  	p0 =	sne.s32 s28, $0x1C0;
	v14 =	vld [tilespmem:s31+$0x20A0];
	s31 =	sor.u32 s20, s21  }
0xa0: {  	v15 =	vld [tilespmem:s31+$0x80B0];
	v9 =	vsub.f32 v7, v9;
	v12 =	vmul.f32 v12, v12;
	v3 =	vadd.f32 v13, v3  }
0xa1: {  	v13 =	vld [tilespmem:s31+$0x20B0]  }
.Ltmp2:
0xa2: {  	v7 =	vld [tilespmem:s31+$0x8080];
	v16 =	vmul.f32 v9, v9;
	v10 =	vsub.f32 v8, v10;
	v5 =	vadd.f32 v12, v5;
	(pc) =	sbr.rel @p0 .LBB2_7-.Ltmp2, $4  }
0xa3: {  	v9 =	vld [tilespmem:s31+$0x2080]  }
0xa4: {  	v8 =	vld [tilespmem:s31+$0x8090];
	v6 =	vadd.f32 v16, v6;
	v16 =	vmul.f32 v10, v10;
	v14 =	vsub.f32 v11, v14  }
0xa5: {  	s21 =	sand.u32 $0x40, s28;
	s9 =	sadd.s32 $0x200, s9;
	v10 =	vld [tilespmem:s31+$0x2090]  }
0xa6: {  	s28 =	sadd.s32 $0x40, s28;
	s20 =	sand.u32 $0xC00, s9;
	s21 =	sor.u32 s21, s30;
	v11 =	vld [tilespmem:s31+$0x80A0];
	v12 =	vsub.f32 v15, v13;
	v4 =	vadd.f32 v16, v4;
	v13 =	vmul.f32 v14, v14  }
0xa7: {  	s9 =	sor.u32 s20, s21;
	v14 =	vld [tilespmem:s31+$0x20A0]  }
0xa8: {  	v15 =	vld [tilespmem:s9+$0x80B0]  }
0xa9: {  	v16 =	vld [tilespmem:s9+$0x20B0]  }
0xaa: {  	v17 =	vld [tilespmem:s9+$0x8080]  }
0xab: {  	v18 =	vld [tilespmem:s9+$0x2080]  }
0xac: {  	v19 =	vld [tilespmem:s9+$0x8090]  }
0xad: {  	v20 =	vld [tilespmem:s9+$0x2090]  }
0xae: {  	v7 =	vsub.f32 v7, v9;
	v59 =	vld [tilespmem:s9+$0x80A0]  }
0xaf: {  	v12 =	vmul.f32 v12, v12;
	v21 =	vld [tilespmem:s9+$0x20A0]  }
0xb0: {  	v3 =	vadd.f32 v13, v3;
	v7 =	vmul.f32 v7, v7  }
0xb1: {  	v8 =	vsub.f32 v8, v10;
	v5 =	vadd.f32 v12, v5  }
0xb2: {  	s1 =	sadd.s32 $0x1, s1;
	v6 =	vadd.f32 v7, v6;
	v7 =	vsub.f32 v11, v14  }
0xb3: {  	p0 =	sne.s32 s1, $0x10;
	v8 =	vmul.f32 v8, v8;
	v60 =	vsub.f32 v15, v16;
	v61 =	vsub.f32 v17, v18  }
.Ltmp3:
0xb4: {  	v62 =	vsub.f32 v19, v20;
	v9 =	vsub.f32 v59, v21;
	v7 =	vmul.f32 v7, v7;
	(pc) =	sbr.rel @p0 .LBB2_6-.Ltmp3, $4  }
0xb5: {  	v4 =	vadd.f32 v8, v4;
	v8 =	vmul.f32 v60, v60;
	v63 =	vmul.f32 v61, v61  }
0xb6: {  	v9 =	vmul.f32 v9, v9;
	v3 =	vadd.f32 v7, v3;
	v7 =	vmul.f32 v62, v62  }
0xb7: {  	v5 =	vadd.f32 v8, v5;
	v6 =	vadd.f32 v63, v6  }
0xb8: {  	v4 =	vadd.f32 v7, v4;
	v3 =	vadd.f32 v9, v3  }
0xb9: {  	v7 =	vld [tilespmem:$0x40];
	_ =	sdelay $0x4  }
0xba: {  	v8 =	vshll.u32 v7, $0x2  }
0xbb: {  	v7 =	vand.u32 $0x7, v7;
	v8 =	vand.u32 $0xFFFFFFE0, v8  }
0xbc: {  	v7 =	vor.u32 v7, v8  }
0xbd: {  	v8 =	vperm.xlane v7, v0;
	_ =	sdelay $0x1  }
0xbe: {  	v8 =	vadd.s32 v1, v8;
	_ =	sdelay $0x1  }
0xbf: {  	v7 =	vperm.xlane v7, v2;
	_ =	sdelay $0x1  }
0xc0: {  	s0 =	simm.s32 $0x0;
	v7 =	vadd.s32 v1, v7  }
0xc1: {  	[tilespmem:s15], [sflag:$0x2] =	stream.indirect_vreg.gather [hbm4b:s2+s0], $0x80, v8, vm0, $0xb8;
	[tilespmem:$0x16100] =	vst v63  }
0xc2: {  	_ = 	snop  }
0xc3: {  	[tilespmem:s16], [sflag:$0x2] =	stream.indirect_vreg.gather [hbm4b:s6+s0], $0x80, v8, vm0, $0xb8;
	[tilespmem:$0x16100] =	vst v63  }
0xc4: {  	_ = 	snop  }
0xc5: {  	[tilespmem:s17], [sflag:$0x2] =	stream.indirect_vreg.gather [hbm4b:s2+s0], $0x80, v7, vm0, $0xb8;
	[tilespmem:$0x16100] =	vst v63  }
0xc6: {  	_ = 	snop  }
0xc7: {  	[tilespmem:s18], [sflag:$0x2] =	stream.indirect_vreg.gather [hbm4b:s6+s0], $0x80, v7, vm0, $0xb8;
	[tilespmem:$0x16100] =	vst v63  }
0xc8: {  	_ =	swait.ge [sflag:s26], $0x2000  }
0xc9: {  	[sflag:s26] =	ssyncset.done $0x0  }
0xca: {  	s1 =	simm.s32 $0x0;
	[sflag:s26] =	ssyncadd.s32 $0xFFFFE000  }
.LBB2_10:
0xcb: {  	s9 =	sshll.u32 s1, $0x9;
	s20 =	sshll.u32 s1, $0x7  }
0xcc: {  	s9 =	sand.u32 $0x1000, s9;
	s20 =	sand.u32 $0x380, s20  }
0xcd: {  	s30 =	sor.u32 s20, s9;
	s20 =	sand.u32 $0x40, s0  }
0xce: {  	s21 =	sand.u32 $0xC00, s0;
	s9 =	sor.u32 s20, s30  }
0xcf: {  	s9 =	sor.u32 s21, s9  }
0xd0: {  	v7 =	vld [tilespmem:s9+$0xA0B0]  }
0xd1: {  	v8 =	vld [tilespmem:s9+$0x40B0]  }
0xd2: {  	v9 =	vld [tilespmem:s9+$0xA080]  }
0xd3: {  	v10 =	vld [tilespmem:s9+$0x4080]  }
0xd4: {  	s21 =	simm.s32 $0x40;
	v11 =	vld [tilespmem:s9+$0xA090]  }
0xd5: {  	s20 =	sand.u32 $0x40, s21;
	v12 =	vld [tilespmem:s9+$0x4090];
	s21 =	simm.s32 $0x200  }
0xd6: {  	v13 =	vld [tilespmem:s9+$0xA0A0];
	s21 =	sand.u32 $0xC00, s21;
	s20 =	sor.u32 s20, s30  }
0xd7: {  	v14 =	vld [tilespmem:s9+$0x40A0];
	s31 =	sor.u32 s21, s20  }
0xd8: {  	v15 =	vld [tilespmem:s31+$0xA0B0]  }
0xd9: {  	v16 =	vld [tilespmem:s31+$0x40B0];
	v8 =	vsub.f32 v7, v8;
	v9 =	vsub.f32 v9, v10  }
0xda: {  	v7 =	vld [tilespmem:s31+$0xA080];
	v10 =	vsub.f32 v11, v12  }
0xdb: {  	v11 =	vmul.f32 v8, v8;
	v12 =	vmul.f32 v9, v9;
	v9 =	vld [tilespmem:s31+$0x4080]  }
0xdc: {  	s21 =	simm.s32 $0x80;
	v13 =	vsub.f32 v13, v14;
	v8 =	vld [tilespmem:s31+$0xA090];
	v14 =	vmul.f32 v10, v10  }
0xdd: {  	s9 =	simm.s32 $0x400;
	s21 =	sand.u32 $0x40, s21;
	v10 =	vld [tilespmem:s31+$0x4090];
	v5 =	vadd.f32 v11, v5;
	v6 =	vadd.f32 v12, v6  }
0xde: {  	s28 =	simm.s32 $0xC0;
	s20 =	sand.u32 $0xC00, s9;
	s21 =	sor.u32 s21, s30;
	v13 =	vmul.f32 v13, v13;
	v11 =	vld [tilespmem:s31+$0xA0A0];
	v12 =	vsub.f32 v15, v16;
	v4 =	vadd.f32 v14, v4  }
.LBB2_11:
0xdf: {  	p0 =	sne.s32 s28, $0x1C0;
	v14 =	vld [tilespmem:s31+$0x40A0];
	s31 =	sor.u32 s20, s21  }
0xe0: {  	v15 =	vld [tilespmem:s31+$0xA0B0];
	v9 =	vsub.f32 v7, v9;
	v12 =	vmul.f32 v12, v12;
	v3 =	vadd.f32 v13, v3  }
0xe1: {  	v13 =	vld [tilespmem:s31+$0x40B0]  }
.Ltmp4:
0xe2: {  	v7 =	vld [tilespmem:s31+$0xA080];
	v16 =	vmul.f32 v9, v9;
	v10 =	vsub.f32 v8, v10;
	v5 =	vadd.f32 v12, v5;
	(pc) =	sbr.rel @p0 .LBB2_11-.Ltmp4, $4  }
0xe3: {  	v9 =	vld [tilespmem:s31+$0x4080]  }
0xe4: {  	v8 =	vld [tilespmem:s31+$0xA090];
	v6 =	vadd.f32 v16, v6;
	v16 =	vmul.f32 v10, v10;
	v14 =	vsub.f32 v11, v14  }
0xe5: {  	s21 =	sand.u32 $0x40, s28;
	s9 =	sadd.s32 $0x200, s9;
	v10 =	vld [tilespmem:s31+$0x4090]  }
0xe6: {  	s28 =	sadd.s32 $0x40, s28;
	s20 =	sand.u32 $0xC00, s9;
	s21 =	sor.u32 s21, s30;
	v11 =	vld [tilespmem:s31+$0xA0A0];
	v12 =	vsub.f32 v15, v13;
	v4 =	vadd.f32 v16, v4;
	v13 =	vmul.f32 v14, v14  }
0xe7: {  	s9 =	sor.u32 s20, s21;
	v14 =	vld [tilespmem:s31+$0x40A0]  }
0xe8: {  	v15 =	vld [tilespmem:s9+$0xA0B0]  }
0xe9: {  	v16 =	vld [tilespmem:s9+$0x40B0]  }
0xea: {  	v17 =	vld [tilespmem:s9+$0xA080]  }
0xeb: {  	v18 =	vld [tilespmem:s9+$0x4080]  }
0xec: {  	v19 =	vld [tilespmem:s9+$0xA090]  }
0xed: {  	v20 =	vld [tilespmem:s9+$0x4090]  }
0xee: {  	v7 =	vsub.f32 v7, v9;
	v59 =	vld [tilespmem:s9+$0xA0A0]  }
0xef: {  	v12 =	vmul.f32 v12, v12;
	v21 =	vld [tilespmem:s9+$0x40A0]  }
0xf0: {  	v3 =	vadd.f32 v13, v3;
	v7 =	vmul.f32 v7, v7  }
0xf1: {  	v8 =	vsub.f32 v8, v10;
	v5 =	vadd.f32 v12, v5  }
0xf2: {  	s1 =	sadd.s32 $0x1, s1;
	v6 =	vadd.f32 v7, v6;
	v7 =	vsub.f32 v11, v14  }
0xf3: {  	p0 =	sne.s32 s1, $0x10;
	v8 =	vmul.f32 v8, v8;
	v60 =	vsub.f32 v15, v16;
	v61 =	vsub.f32 v17, v18  }
.Ltmp5:
0xf4: {  	v62 =	vsub.f32 v19, v20;
	v9 =	vsub.f32 v59, v21;
	v7 =	vmul.f32 v7, v7;
	(pc) =	sbr.rel @p0 .LBB2_10-.Ltmp5, $4  }
0xf5: {  	v4 =	vadd.f32 v8, v4;
	v8 =	vmul.f32 v60, v60;
	v63 =	vmul.f32 v61, v61  }
0xf6: {  	v9 =	vmul.f32 v9, v9;
	v3 =	vadd.f32 v7, v3;
	v7 =	vmul.f32 v62, v62  }
0xf7: {  	v5 =	vadd.f32 v8, v5;
	v6 =	vadd.f32 v63, v6  }
0xf8: {  	v4 =	vadd.f32 v7, v4;
	v3 =	vadd.f32 v9, v3  }
0xf9: {  	v7 =	vld [tilespmem:$0x50];
	_ =	sdelay $0x4  }
0xfa: {  	v8 =	vshll.u32 v7, $0x2  }
0xfb: {  	v7 =	vand.u32 $0x7, v7;
	v8 =	vand.u32 $0xFFFFFFE0, v8  }
0xfc: {  	v7 =	vor.u32 v7, v8  }
0xfd: {  	v8 =	vperm.xlane v7, v0;
	_ =	sdelay $0x1  }
0xfe: {  	v8 =	vadd.s32 v1, v8;
	_ =	sdelay $0x1  }
0xff: {  	v7 =	vperm.xlane v7, v2;
	_ =	sdelay $0x1  }
0x100: {  	s31 =	simm.s32 $0x0;
	s20 =	simm.s32 $0x4080;
	v7 =	vadd.s32 v1, v7  }
0x101: {  	[tilespmem:s20], [sflag:$0x3] =	stream.indirect_vreg.gather [hbm4b:s2+s31], $0x80, v8, vm0, $0xb8;
	[tilespmem:$0x16100] =	vst v63  }
0x102: {  	s21 =	simm.s32 $0x4880  }
0x103: {  	[tilespmem:s21], [sflag:$0x3] =	stream.indirect_vreg.gather [hbm4b:s6+s31], $0x80, v8, vm0, $0xb8;
	[tilespmem:$0x16100] =	vst v63  }
0x104: {  	_ = 	snop  }
0x105: {  	[tilespmem:s22], [sflag:$0x3] =	stream.indirect_vreg.gather [hbm4b:s2+s31], $0x80, v7, vm0, $0xb8;
	[tilespmem:$0x16100] =	vst v63  }
0x106: {  	_ = 	snop  }
0x107: {  	[tilespmem:s23], [sflag:$0x3] =	stream.indirect_vreg.gather [hbm4b:s6+s31], $0x80, v7, vm0, $0xb8;
	[tilespmem:$0x16100] =	vst v63  }
0x108: {  	_ =	swait.ge [sflag:s24], $0x2000  }
0x109: {  	s0 =	sand.u32 $0x1000, s31;
	s1 =	sand.u32 $0x380, s31;
	[sflag:s24] =	ssyncset.done $0x0  }
0x10a: {  	s30 =	sor.u32 s1, s0;
	[sflag:s24] =	ssyncadd.s32 $0xFFFFE000  }
0x10b: {  	v7 =	vld [tilespmem:s30+$0xCCC0]  }
0x10c: {  	v8 =	vld [tilespmem:s30+$0xCC0]  }
0x10d: {  	v9 =	vld [tilespmem:s30+$0xCCD0]  }
0x10e: {  	v10 =	vld [tilespmem:s30+$0xCD0]  }
0x10f: {  	v11 =	vld [tilespmem:s30+$0xCCE0]  }
0x110: {  	v12 =	vld [tilespmem:s30+$0xCE0]  }
0x111: {  	v13 =	vld [tilespmem:s30+$0xCCF0]  }
0x112: {  	v14 =	vld [tilespmem:s30+$0xCF0]  }
0x113: {  	v17 =	vld [tilespmem:s30+$0xCC80]  }
0x114: {  	v18 =	vld [tilespmem:s30+$0xC80]  }
0x115: {  	v19 =	vld [tilespmem:s30+$0xCC90]  }
0x116: {  	v20 =	vld [tilespmem:s30+$0xC90]  }
0x117: {  	v21 =	vld [tilespmem:s30+$0xCCA0]  }
0x118: {  	v22 =	vld [tilespmem:s30+$0xCA0]  }
0x119: {  	v23 =	vld [tilespmem:s30+$0xCCB0]  }
0x11a: {  	v25 =	vld [tilespmem:s30+$0xCB0]  }
0x11b: {  	v26 =	vld [tilespmem:s30+$0xC8C0]  }
0x11c: {  	v27 =	vld [tilespmem:s30+$0x8C0]  }
0x11d: {  	v29 =	vld [tilespmem:s30+$0xC8D0]  }
0x11e: {  	v32 =	vld [tilespmem:s30+$0x8D0]  }
0x11f: {  	v36 =	vld [tilespmem:s30+$0xC8E0]  }
0x120: {  	v37 =	vld [tilespmem:s30+$0x8E0]  }
0x121: {  	v39 =	vld [tilespmem:s30+$0xC8F0]  }
0x122: {  	v40 =	vld [tilespmem:s30+$0x8F0]  }
0x123: {  	v41 =	vld [tilespmem:s30+$0xC880]  }
0x124: {  	v42 =	vld [tilespmem:s30+$0x880]  }
0x125: {  	v43 =	vld [tilespmem:s30+$0xC890]  }
0x126: {  	v44 =	vld [tilespmem:s30+$0x890]  }
0x127: {  	v45 =	vld [tilespmem:s30+$0xC8A0]  }
0x128: {  	v46 =	vld [tilespmem:s30+$0x8A0]  }
0x129: {  	v47 =	vld [tilespmem:s30+$0xC8B0]  }
0x12a: {  	v48 =	vld [tilespmem:s30+$0x8B0]  }
0x12b: {  	v49 =	vld [tilespmem:s30+$0xC4C0]  }
0x12c: {  	v50 =	vld [tilespmem:s30+$0x4C0]  }
0x12d: {  	v51 =	vld [tilespmem:s30+$0xC4D0]  }
0x12e: {  	v52 =	vld [tilespmem:s30+$0x4D0]  }
0x12f: {  	v53 =	vld [tilespmem:s30+$0xC4E0]  }
0x130: {  	v54 =	vld [tilespmem:s30+$0x4E0]  }
0x131: {  	v55 =	vld [tilespmem:s30+$0xC4F0]  }
0x132: {  	v56 =	vld [tilespmem:s30+$0x4F0]  }
0x133: {  	v57 =	vld [tilespmem:s30+$0xC480]  }
0x134: {  	v58 =	vld [tilespmem:s30+$0x480]  }
0x135: {  	v59 =	vld [tilespmem:s30+$0xC490]  }
0x136: {  	v60 =	vld [tilespmem:s30+$0x490]  }
0x137: {  	v61 =	vld [tilespmem:s30+$0xC4A0]  }
0x138: {  	v62 =	vld [tilespmem:s30+$0x4A0]  }
0x139: {  	v30 =	vld [tilespmem:s30+$0xC4B0]  }
0x13a: {  	v33 =	vld [tilespmem:s30+$0x4B0]  }
0x13b: {  	v28 =	vld [tilespmem:s30+$0xC0C0];
	v15 =	vsub.f32 v7, v8  }
0x13c: {  	v34 =	vld [tilespmem:s30+$0xC0];
	v16 =	vsub.f32 v9, v10;
	v8 =	vsub.f32 v11, v12  }
0x13d: {  	v31 =	vld [tilespmem:s30+$0xC0D0];
	v17 =	vsub.f32 v17, v18;
	v7 =	vsub.f32 v13, v14  }
0x13e: {  	v35 =	vld [tilespmem:s30+$0xD0];
	v18 =	vsub.f32 v19, v20;
	v10 =	vsub.f32 v21, v22  }
0x13f: {  	v24 =	vld [tilespmem:s30+$0xC0E0];
	v21 =	vsub.f32 v26, v27;
	v9 =	vsub.f32 v23, v25  }
0x140: {  	v38 =	vld [tilespmem:s30+$0xC080];
	v22 =	vsub.f32 v29, v32;
	v12 =	vsub.f32 v36, v37  }
0x141: {  	v26 =	vld [tilespmem:s30+$0xE0];
	v23 =	vsub.f32 v41, v42;
	v11 =	vsub.f32 v39, v40  }
0x142: {  	v40 =	vld [tilespmem:s30+$0x80];
	v25 =	vsub.f32 v43, v44;
	v14 =	vsub.f32 v45, v46  }
0x143: {  	v39 =	vld [tilespmem:s30+$0xC090];
	v29 =	vsub.f32 v49, v50;
	v13 =	vsub.f32 v47, v48  }
0x144: {  	v42 =	vld [tilespmem:s30+$0x90];
	v32 =	vsub.f32 v51, v52;
	v20 =	vsub.f32 v53, v54  }
0x145: {  	v41 =	vld [tilespmem:s30+$0xC0A0];
	v36 =	vsub.f32 v57, v58;
	v19 =	vsub.f32 v55, v56  }
0x146: {  	s0 =	simm.s32 $0x200;
	v43 =	vld [tilespmem:s30+$0xA0];
	v37 =	vsub.f32 v59, v60;
	v27 =	vsub.f32 v61, v62  }
.LBB2_14:
0x147: {  	p0 =	sne.s32 s0, $0x1E00;
	v44 =	vld [tilespmem:s30+$0xC0B0];
	v30 =	vsub.f32 v30, v33;
	v33 =	vmul.f32 v15, v15;
	v45 =	vmul.f32 v16, v16  }
0x148: {  	v28 =	vsub.f32 v28, v34;
	v34 =	vmul.f32 v17, v17;
	v47 =	vmul.f32 v18, v18;
	s31 =	sadd.s32 $0x80, s31;
	v46 =	vld [tilespmem:s30+$0xB0]  }
0x149: {  	s1 =	sand.u32 $0x1000, s0;
	v18 =	vsub.f32 v31, v35;
	v35 =	vmul.f32 v21, v21;
	v48 =	vmul.f32 v22, v22;
	s9 =	sand.u32 $0x380, s31;
	v31 =	vld [tilespmem:s30+$0xC0F0]  }
0x14a: {  	v21 =	vsub.f32 v38, v40;
	v38 =	vmul.f32 v23, v23;
	v25 =	vmul.f32 v25, v25;
	v22 =	vld [tilespmem:s30+$0xF0];
	s30 =	sor.u32 s9, s1  }
0x14b: {  	v29 =	vmul.f32 v29, v29;
	v32 =	vmul.f32 v32, v32;
	v23 =	vsub.f32 v39, v42;
	v15 =	vld [tilespmem:s30+$0xCCC0]  }
0x14c: {  	v36 =	vmul.f32 v36, v36;
	v37 =	vmul.f32 v37, v37;
	v39 =	vsub.f32 v41, v43;
	v16 =	vld [tilespmem:s30+$0xCC0]  }
0x14d: {  	v28 =	vmul.f32 v28, v28;
	v41 =	vmul.f32 v18, v18;
	v17 =	vld [tilespmem:s30+$0xCCD0];
	v40 =	vsub.f32 v44, v46  }
0x14e: {  	v24 =	vsub.f32 v24, v26;
	v42 =	vmul.f32 v21, v21;
	v23 =	vmul.f32 v23, v23;
	v18 =	vld [tilespmem:s30+$0xCD0]  }
0x14f: {  	v26 =	vmul.f32 v39, v39;
	v21 =	vld [tilespmem:s30+$0xCCE0];
	v39 =	vmul.f32 v40, v40;
	v31 =	vsub.f32 v31, v22  }
0x150: {  	v6 =	vadd.f32 v42, v6;
	v4 =	vadd.f32 v23, v4;
	v40 =	vmul.f32 v24, v24;
	v22 =	vld [tilespmem:s30+$0xCE0]  }
0x151: {  	v3 =	vadd.f32 v26, v3;
	v23 =	vld [tilespmem:s30+$0xCCF0];
	v5 =	vadd.f32 v39, v5;
	v26 =	vmul.f32 v31, v31  }
0x152: {  	v27 =	vmul.f32 v27, v27;
	v6 =	vadd.f32 v28, v6;
	v4 =	vadd.f32 v41, v4;
	v24 =	vld [tilespmem:s30+$0xCF0]  }
0x153: {  	v3 =	vadd.f32 v40, v3;
	v39 =	vld [tilespmem:s30+$0xCC80];
	v5 =	vadd.f32 v26, v5;
	v26 =	vmul.f32 v30, v30  }
0x154: {  	v20 =	vmul.f32 v20, v20;
	v6 =	vadd.f32 v36, v6;
	v4 =	vadd.f32 v37, v4;
	v40 =	vld [tilespmem:s30+$0xC80]  }
0x155: {  	v19 =	vmul.f32 v19, v19;
	v3 =	vadd.f32 v27, v3;
	v36 =	vld [tilespmem:s30+$0xCC90];
	v5 =	vadd.f32 v26, v5  }
0x156: {  	v14 =	vmul.f32 v14, v14;
	v6 =	vadd.f32 v29, v6;
	v4 =	vadd.f32 v32, v4;
	v26 =	vld [tilespmem:s30+$0xC90]  }
0x157: {  	v13 =	vmul.f32 v13, v13;
	v3 =	vadd.f32 v20, v3;
	v27 =	vld [tilespmem:s30+$0xCCA0];
	v5 =	vadd.f32 v19, v5  }
0x158: {  	v12 =	vmul.f32 v12, v12;
	v6 =	vadd.f32 v38, v6;
	v4 =	vadd.f32 v25, v4;
	v19 =	vld [tilespmem:s30+$0xCA0]  }
0x159: {  	v11 =	vmul.f32 v11, v11;
	v3 =	vadd.f32 v14, v3;
	v20 =	vld [tilespmem:s30+$0xCCB0];
	v5 =	vadd.f32 v13, v5  }
0x15a: {  	v10 =	vmul.f32 v10, v10;
	v6 =	vadd.f32 v35, v6;
	v4 =	vadd.f32 v48, v4;
	v13 =	vld [tilespmem:s30+$0xCB0]  }
0x15b: {  	v9 =	vmul.f32 v9, v9;
	v3 =	vadd.f32 v12, v3;
	v14 =	vld [tilespmem:s30+$0xC8C0];
	v5 =	vadd.f32 v11, v5  }
0x15c: {  	v8 =	vmul.f32 v8, v8;
	v6 =	vadd.f32 v34, v6;
	v4 =	vadd.f32 v47, v4;
	v11 =	vld [tilespmem:s30+$0x8C0]  }
0x15d: {  	v7 =	vmul.f32 v7, v7;
	v3 =	vadd.f32 v10, v3;
	v12 =	vld [tilespmem:s30+$0xC8D0];
	v5 =	vadd.f32 v9, v5  }
0x15e: {  	v6 =	vadd.f32 v33, v6;
	v4 =	vadd.f32 v45, v4;
	v25 =	vld [tilespmem:s30+$0x8D0]  }
0x15f: {  	v3 =	vadd.f32 v8, v3;
	v29 =	vld [tilespmem:s30+$0xC8E0];
	v5 =	vadd.f32 v7, v5  }
0x160: {  	v32 =	vld [tilespmem:s30+$0x8E0]  }
0x161: {  	v37 =	vld [tilespmem:s30+$0xC8F0]  }
0x162: {  	v41 =	vld [tilespmem:s30+$0x8F0]  }
0x163: {  	v42 =	vld [tilespmem:s30+$0xC880]  }
0x164: {  	v43 =	vld [tilespmem:s30+$0x880]  }
0x165: {  	v44 =	vld [tilespmem:s30+$0xC890]  }
0x166: {  	v45 =	vld [tilespmem:s30+$0x890]  }
0x167: {  	v46 =	vld [tilespmem:s30+$0xC8A0]  }
0x168: {  	v47 =	vld [tilespmem:s30+$0x8A0]  }
0x169: {  	v48 =	vld [tilespmem:s30+$0xC8B0]  }
0x16a: {  	v49 =	vld [tilespmem:s30+$0x8B0]  }
0x16b: {  	v50 =	vld [tilespmem:s30+$0xC4C0]  }
0x16c: {  	v51 =	vld [tilespmem:s30+$0x4C0]  }
0x16d: {  	v52 =	vld [tilespmem:s30+$0xC4D0]  }
0x16e: {  	v53 =	vld [tilespmem:s30+$0x4D0]  }
0x16f: {  	v54 =	vld [tilespmem:s30+$0xC4E0]  }
0x170: {  	v55 =	vld [tilespmem:s30+$0x4E0]  }
0x171: {  	v56 =	vld [tilespmem:s30+$0xC4F0]  }
0x172: {  	v57 =	vld [tilespmem:s30+$0x4F0]  }
0x173: {  	v58 =	vld [tilespmem:s30+$0xC480]  }
0x174: {  	v59 =	vld [tilespmem:s30+$0x480]  }
0x175: {  	v60 =	vld [tilespmem:s30+$0xC490]  }
0x176: {  	v61 =	vld [tilespmem:s30+$0x490]  }
0x177: {  	v62 =	vld [tilespmem:s30+$0xC4A0]  }
0x178: {  	v63 =	vld [tilespmem:s30+$0x4A0]  }
0x179: {  	v30 =	vld [tilespmem:s30+$0xC4B0]  }
0x17a: {  	v33 =	vld [tilespmem:s30+$0x4B0]  }
0x17b: {  	v15 =	vsub.f32 v15, v16;
	v28 =	vld [tilespmem:s30+$0xC0C0]  }
0x17c: {  	v16 =	vsub.f32 v17, v18;
	v8 =	vsub.f32 v21, v22;
	v34 =	vld [tilespmem:s30+$0xC0]  }
0x17d: {  	v17 =	vsub.f32 v39, v40;
	v7 =	vsub.f32 v23, v24;
	v31 =	vld [tilespmem:s30+$0xC0D0]  }
0x17e: {  	v18 =	vsub.f32 v36, v26;
	v10 =	vsub.f32 v27, v19;
	v35 =	vld [tilespmem:s30+$0xD0]  }
0x17f: {  	v9 =	vsub.f32 v20, v13;
	v21 =	vsub.f32 v14, v11;
	v24 =	vld [tilespmem:s30+$0xC0E0]  }
0x180: {  	v22 =	vsub.f32 v12, v25;
	v12 =	vsub.f32 v29, v32;
	v26 =	vld [tilespmem:s30+$0xE0]  }
0x181: {  	v11 =	vsub.f32 v37, v41;
	v23 =	vsub.f32 v42, v43;
	v38 =	vld [tilespmem:s30+$0xC080]  }
.Ltmp6:
0x182: {  	v25 =	vsub.f32 v44, v45;
	v14 =	vsub.f32 v46, v47;
	v40 =	vld [tilespmem:s30+$0x80];
	(pc) =	sbr.rel @p0 .LBB2_14-.Ltmp6, $4  }
0x183: {  	v13 =	vsub.f32 v48, v49;
	v29 =	vsub.f32 v50, v51;
	v39 =	vld [tilespmem:s30+$0xC090]  }
0x184: {  	v32 =	vsub.f32 v52, v53;
	v20 =	vsub.f32 v54, v55;
	v42 =	vld [tilespmem:s30+$0x90]  }
0x185: {  	v19 =	vsub.f32 v56, v57;
	v36 =	vsub.f32 v58, v59;
	v41 =	vld [tilespmem:s30+$0xC0A0]  }
0x186: {  	s0 =	sadd.s32 $0x200, s0;
	v37 =	vsub.f32 v60, v61;
	v27 =	vsub.f32 v62, v63;
	v43 =	vld [tilespmem:s30+$0xA0]  }
0x187: {  	v44 =	vld [tilespmem:$0x60];
	_ =	sdelay $0x4  }
0x188: {  	v45 =	vshll.u32 v44, $0x2  }
0x189: {  	v44 =	vand.u32 $0x7, v44;
	v45 =	vand.u32 $0xFFFFFFE0, v45  }
0x18a: {  	v44 =	vor.u32 v44, v45  }
0x18b: {  	v45 =	vperm.xlane v44, v0;
	_ =	sdelay $0x1  }
0x18c: {  	v45 =	vadd.s32 v1, v45;
	_ =	sdelay $0x1  }
0x18d: {  	v46 =	vld [tilespmem:s30+$0xC0B0];
	v44 =	vperm.xlane v44, v2  }
0x18e: {  	v47 =	vld [tilespmem:s30+$0xB0]  }
0x18f: {  	v48 =	vld [tilespmem:s30+$0xC0F0];
	s31 =	simm.s32 $0x0;
	v44 =	vadd.s32 v1, v44  }
0x190: {  	v49 =	vld [tilespmem:s30+$0xF0];
	[tilespmem:s11], [sflag:$0x1] =	stream.indirect_vreg.gather [hbm4b:s2+s31], $0x80, v45, vm0, $0xb8  }
0x191: {  	_ = 	snop  }
0x192: {  	[tilespmem:s12], [sflag:$0x1] =	stream.indirect_vreg.gather [hbm4b:s6+s31], $0x80, v45, vm0, $0xb8;
	[tilespmem:$0x16100] =	vst v63  }
0x193: {  	_ = 	snop  }
0x194: {  	[tilespmem:s13], [sflag:$0x1] =	stream.indirect_vreg.gather [hbm4b:s2+s31], $0x80, v44, vm0, $0xb8;
	[tilespmem:$0x16100] =	vst v63  }
0x195: {  	_ = 	snop  }
0x196: {  	[tilespmem:s14], [sflag:$0x1] =	stream.indirect_vreg.gather [hbm4b:s6+s31], $0x80, v44, vm0, $0xb8;
	[tilespmem:$0x16100] =	vst v63  }
0x197: {  	_ =	swait.ge [sflag:s25], $0x2000  }
0x198: {  	s0 =	sand.u32 $0x1000, s31;
	s1 =	sand.u32 $0x380, s31;
	[sflag:s25] =	ssyncset.done $0x0  }
0x199: {  	s30 =	sor.u32 s1, s0;
	[sflag:s25] =	ssyncadd.s32 $0xFFFFE000  }
0x19a: {  	v0 =	vld [tilespmem:s30+$0xECC0]  }
0x19b: {  	v62 =	vld [tilespmem:s30+$0xEC80]  }
0x19c: {  	v57 =	vld [tilespmem:s30+$0x2C80]  }
0x19d: {  	v59 =	vld [tilespmem:s30+$0x2C90]  }
0x19e: {  	v60 =	vld [tilespmem:s30+$0xECA0]  }
0x19f: {  	v61 =	vld [tilespmem:s30+$0x2CA0]  }
0x1a0: {  	v63 =	vld [tilespmem:s30+$0x2CB0]  }
0x1a1: {  	v55 =	vld [tilespmem:s30+$0xE8C0]  }
0x1a2: {  	v51 =	vld [tilespmem:s30+$0x28C0]  }
0x1a3: {  	v58 =	vld [tilespmem:s30+$0xE8D0]  }
0x1a4: {  	v53 =	vld [tilespmem:s30+$0x28D0]  }
0x1a5: {  	v54 =	vld [tilespmem:s30+$0xE8E0]  }
0x1a6: {  	v52 =	vld [tilespmem:s30+$0x28E0]  }
0x1a7: {  	v56 =	vld [tilespmem:s30+$0xE8F0]  }
0x1a8: {  	v30 =	vsub.f32 v30, v33;
	v38 =	vsub.f32 v38, v40;
	v50 =	vld [tilespmem:s30+$0x28F0]  }
0x1a9: {  	v28 =	vsub.f32 v28, v34;
	v20 =	vmul.f32 v20, v20;
	v23 =	vmul.f32 v23, v23;
	v45 =	vld [tilespmem:s30+$0xE880]  }
0x1aa: {  	v31 =	vsub.f32 v31, v35;
	v19 =	vmul.f32 v19, v19;
	v14 =	vmul.f32 v14, v14;
	v44 =	vld [tilespmem:s30+$0x2880]  }
0x1ab: {  	v13 =	vmul.f32 v13, v13;
	v12 =	vmul.f32 v12, v12;
	v40 =	vsub.f32 v39, v42;
	v42 =	vld [tilespmem:s30+$0xE890]  }
0x1ac: {  	v24 =	vsub.f32 v24, v26;
	v17 =	vmul.f32 v17, v17;
	v11 =	vmul.f32 v11, v11;
	[tilespmem:$0x1FF30] =	vst v0;
	v0 =	vld [tilespmem:s30+$0x2CC0]  }
0x1ad: {  	v27 =	vmul.f32 v27, v27;
	v33 =	vmul.f32 v38, v38;
	v35 =	vsub.f32 v41, v43;
	v43 =	vld [tilespmem:s30+$0x2890]  }
0x1ae: {  	v28 =	vmul.f32 v28, v28;
	v34 =	vmul.f32 v40, v40;
	v47 =	vsub.f32 v46, v47;
	v46 =	vld [tilespmem:s30+$0xE8A0]  }
0x1af: {  	v31 =	vmul.f32 v31, v31;
	v6 =	vadd.f32 v33, v6;
	v35 =	vmul.f32 v35, v35;
	v41 =	vld [tilespmem:s30+$0x28A0]  }
0x1b0: {  	v26 =	vsub.f32 v48, v49;
	v4 =	vadd.f32 v34, v4;
	v49 =	vmul.f32 v47, v47;
	v47 =	vld [tilespmem:s30+$0xE8B0]  }
0x1b1: {  	v24 =	vmul.f32 v24, v24;
	v6 =	vadd.f32 v28, v6;
	v3 =	vadd.f32 v35, v3;
	[tilespmem:$0x1FF40] =	vst v0;
	v0 =	vld [tilespmem:s30+$0xECD0]  }
0x1b2: {  	v28 =	vmul.f32 v36, v36;
	v26 =	vmul.f32 v26, v26;
	v5 =	vadd.f32 v49, v5;
	v40 =	vld [tilespmem:s30+$0x28B0]  }
0x1b3: {  	v4 =	vadd.f32 v31, v4;
	v3 =	vadd.f32 v24, v3;
	v24 =	vmul.f32 v37, v37;
	v48 =	vld [tilespmem:s30+$0xE4C0]  }
0x1b4: {  	v5 =	vadd.f32 v26, v5;
	v26 =	vmul.f32 v29, v29;
	v29 =	vmul.f32 v30, v30;
	v35 =	vld [tilespmem:s30+$0x24C0]  }
0x1b5: {  	v10 =	vmul.f32 v10, v10;
	v6 =	vadd.f32 v28, v6;
	v3 =	vadd.f32 v27, v3;
	v49 =	vld [tilespmem:s30+$0xE4D0]  }
0x1b6: {  	v4 =	vadd.f32 v24, v4;
	v24 =	vmul.f32 v32, v32;
	v5 =	vadd.f32 v29, v5;
	[tilespmem:$0x1FF50] =	vst v0;
	v0 =	vld [tilespmem:s30+$0x2CD0]  }
0x1b7: {  	v9 =	vmul.f32 v9, v9;
	v6 =	vadd.f32 v26, v6;
	v3 =	vadd.f32 v20, v3;
	v36 =	vld [tilespmem:s30+$0x24D0]  }
0x1b8: {  	v4 =	vadd.f32 v24, v4;
	v24 =	vmul.f32 v25, v25;
	v5 =	vadd.f32 v19, v5;
	v39 =	vld [tilespmem:s30+$0xE4E0]  }
0x1b9: {  	v6 =	vadd.f32 v23, v6;
	v19 =	vmul.f32 v21, v21;
	v3 =	vadd.f32 v14, v3;
	v30 =	vld [tilespmem:s30+$0x24E0]  }
0x1ba: {  	v4 =	vadd.f32 v24, v4;
	v14 =	vmul.f32 v22, v22;
	v5 =	vadd.f32 v13, v5;
	v29 =	vld [tilespmem:s30+$0xE4F0]  }
0x1bb: {  	v8 =	vmul.f32 v8, v8;
	v6 =	vadd.f32 v19, v6;
	v3 =	vadd.f32 v12, v3;
	[tilespmem:$0x1FF60] =	vst v0;
	v0 =	vld [tilespmem:s30+$0xECE0]  }
0x1bc: {  	v4 =	vadd.f32 v14, v4;
	v14 =	vmul.f32 v18, v18;
	v5 =	vadd.f32 v11, v5;
	v21 =	vld [tilespmem:s30+$0x24F0]  }
0x1bd: {  	v6 =	vadd.f32 v17, v6;
	v11 =	vmul.f32 v15, v15;
	v3 =	vadd.f32 v10, v3;
	v13 =	vld [tilespmem:s30+$0xE480]  }
0x1be: {  	v4 =	vadd.f32 v14, v4;
	v9 =	vadd.f32 v9, v5;
	v2 =	vld [tilespmem:s30+$0x2480]  }
0x1bf: {  	v15 =	vmul.f32 v16, v16;
	v5 =	vadd.f32 v11, v6;
	v11 =	vadd.f32 v8, v3;
	v3 =	vld [tilespmem:$0x1FF30]  }
0x1c0: {  	[tilespmem:$0x1FF70] =	vst v0;
	v0 =	vld [tilespmem:s30+$0x2CE0]  }
0x1c1: {  	v16 =	vadd.f32 v15, v4;
	v4 =	vld [tilespmem:$0x1FF40]  }
0x1c2: {  	v12 =	vld [tilespmem:s30+$0xE490]  }
0x1c3: {  	v17 =	vld [tilespmem:s30+$0x2490]  }
0x1c4: {  	v1 =	vld [tilespmem:s30+$0xE4A0]  }
0x1c5: {  	[tilespmem:$0x1FF80] =	vst v0;
	v0 =	vld [tilespmem:s30+$0xECF0]  }
0x1c6: {  	v25 =	vsub.f32 v3, v4;
	v3 =	vld [tilespmem:$0x1FF50]  }
0x1c7: {  	v4 =	vld [tilespmem:$0x1FF60]  }
0x1c8: {  	v14 =	vld [tilespmem:s30+$0xE4B0]  }
0x1c9: {  	v37 =	vld [tilespmem:s30+$0x24B0]  }
0x1ca: {  	[tilespmem:$0x1FF90] =	vst v0;
	v0 =	vld [tilespmem:s30+$0x2CF0]  }
0x1cb: {  	v22 =	vld [tilespmem:s30+$0xE0C0]  }
0x1cc: {  	v26 =	vsub.f32 v3, v4;
	v3 =	vld [tilespmem:$0x1FF70]  }
0x1cd: {  	v4 =	vld [tilespmem:$0x1FF80]  }
0x1ce: {  	v7 =	vmul.f32 v7, v7;
	v10 =	vld [tilespmem:s30+$0x20C0]  }
0x1cf: {  	[tilespmem:$0x1FFA0] =	vst v0;
	v0 =	vld [tilespmem:s30+$0xEC90]  }
0x1d0: {  	v15 =	vadd.f32 v7, v9;
	v9 =	vld [tilespmem:s30+$0xE0D0]  }
0x1d1: {  	v38 =	vld [tilespmem:s30+$0x20D0]  }
0x1d2: {  	v4 =	vsub.f32 v3, v4;
	v3 =	vld [tilespmem:$0x1FF90]  }
0x1d3: {  	v6 =	vld [tilespmem:$0x1FFA0]  }
0x1d4: {  	[tilespmem:$0x1FFB0] =	vst v0;
	v0 =	vld [tilespmem:s30+$0xECB0]  }
0x1d5: {  	v20 =	vld [tilespmem:s30+$0x20E0]  }
0x1d6: {  	v27 =	vsub.f32 v62, v57;
	v32 =	vsub.f32 v58, v53;
	v53 =	vld [tilespmem:s30+$0xE080]  }
0x1d7: {  	v8 =	vsub.f32 v60, v61;
	v31 =	vsub.f32 v55, v51;
	v55 =	vld [tilespmem:s30+$0x2080]  }
0x1d8: {  	v19 =	vsub.f32 v54, v52;
	v3 =	vsub.f32 v3, v6;
	v6 =	vld [tilespmem:$0x1FFB0]  }
0x1d9: {  	v33 =	vsub.f32 v45, v44;
	v18 =	vsub.f32 v56, v50;
	[tilespmem:$0x1FFC0] =	vst v0;
	v0 =	vld [tilespmem:s30+$0x24A0]  }
0x1da: {  	v34 =	vsub.f32 v42, v43;
	v24 =	vsub.f32 v46, v41;
	v7 =	vld [tilespmem:$0x1FFC0]  }
0x1db: {  	v54 =	vld [tilespmem:s30+$0xE090];
	v35 =	vsub.f32 v48, v35;
	v23 =	vsub.f32 v47, v40  }
0x1dc: {  	v57 =	vld [tilespmem:s30+$0x2090];
	v36 =	vsub.f32 v49, v36;
	v30 =	vsub.f32 v39, v30  }
0x1dd: {  	v56 =	vld [tilespmem:s30+$0xE0A0];
	v51 =	vsub.f32 v13, v2;
	v29 =	vsub.f32 v29, v21  }
0x1de: {  	v58 =	vld [tilespmem:s30+$0x20A0];
	v52 =	vsub.f32 v12, v17;
	v28 =	vsub.f32 v6, v59  }
0x1df: {  	s0 =	simm.s32 $0x200;
	v6 =	vld [tilespmem:s30+$0xE0E0];
	v21 =	vsub.f32 v1, v0;
	v7 =	vsub.f32 v7, v63  }
.LBB2_16:
0x1e0: {  	p0 =	sne.s32 s0, $0x1E00;
	v0 =	vld [tilespmem:s30+$0xE0B0];
	v1 =	vsub.f32 v14, v37;
	v2 =	vmul.f32 v25, v25;
	v14 =	vmul.f32 v26, v26  }
0x1e1: {  	v17 =	vsub.f32 v22, v10;
	v22 =	vmul.f32 v27, v27;
	v25 =	vmul.f32 v28, v28;
	s31 =	sadd.s32 $0x80, s31;
	v13 =	vld [tilespmem:s30+$0x20B0]  }
0x1e2: {  	s1 =	sand.u32 $0x1000, s0;
	v26 =	vsub.f32 v9, v38;
	v31 =	vmul.f32 v31, v31;
	v32 =	vmul.f32 v32, v32;
	s9 =	sand.u32 $0x380, s31;
	v27 =	vld [tilespmem:s30+$0xE0F0]  }
0x1e3: {  	v28 =	vsub.f32 v53, v55;
	v33 =	vmul.f32 v33, v33;
	v34 =	vmul.f32 v34, v34;
	v37 =	vld [tilespmem:s30+$0x20F0];
	s30 =	sor.u32 s9, s1  }
0x1e4: {  	v35 =	vmul.f32 v35, v35;
	v36 =	vmul.f32 v36, v36;
	v38 =	vsub.f32 v54, v57;
	v9 =	vld [tilespmem:s30+$0xECC0]  }
0x1e5: {  	v40 =	vmul.f32 v51, v51;
	v41 =	vmul.f32 v52, v52;
	v39 =	vsub.f32 v56, v58;
	v10 =	vld [tilespmem:s30+$0x2CC0]  }
0x1e6: {  	v42 =	vmul.f32 v17, v17;
	v26 =	vmul.f32 v26, v26;
	v12 =	vld [tilespmem:s30+$0xECD0];
	v0 =	vsub.f32 v0, v13  }
0x1e7: {  	v20 =	vsub.f32 v6, v20;
	v28 =	vmul.f32 v28, v28;
	v38 =	vmul.f32 v38, v38;
	v13 =	vld [tilespmem:s30+$0x2CD0]  }
0x1e8: {  	v39 =	vmul.f32 v39, v39;
	v6 =	vld [tilespmem:s30+$0xECE0];
	v0 =	vmul.f32 v0, v0;
	v27 =	vsub.f32 v27, v37  }
0x1e9: {  	v5 =	vadd.f32 v28, v5;
	v16 =	vadd.f32 v38, v16;
	v37 =	vmul.f32 v20, v20;
	v17 =	vld [tilespmem:s30+$0x2CE0]  }
0x1ea: {  	v11 =	vadd.f32 v39, v11;
	v20 =	vld [tilespmem:s30+$0xECF0];
	v0 =	vadd.f32 v0, v15;
	v15 =	vmul.f32 v27, v27  }
0x1eb: {  	v21 =	vmul.f32 v21, v21;
	v5 =	vadd.f32 v42, v5;
	v16 =	vadd.f32 v26, v16;
	v28 =	vld [tilespmem:s30+$0x2CF0]  }
0x1ec: {  	v1 =	vmul.f32 v1, v1;
	v11 =	vadd.f32 v37, v11;
	v27 =	vld [tilespmem:s30+$0xEC80];
	v0 =	vadd.f32 v15, v0  }
0x1ed: {  	v5 =	vadd.f32 v40, v5;
	v15 =	vadd.f32 v41, v16;
	v16 =	vmul.f32 v30, v30;
	v38 =	vld [tilespmem:s30+$0x2C80]  }
0x1ee: {  	v11 =	vadd.f32 v21, v11;
	v30 =	vld [tilespmem:s30+$0xEC90];
	v0 =	vadd.f32 v1, v0;
	v1 =	vmul.f32 v29, v29  }
0x1ef: {  	v24 =	vmul.f32 v24, v24;
	v5 =	vadd.f32 v35, v5;
	v15 =	vadd.f32 v36, v15;
	v21 =	vld [tilespmem:s30+$0x2C90]  }
0x1f0: {  	v11 =	vadd.f32 v16, v11;
	v29 =	vld [tilespmem:s30+$0xECA0];
	v0 =	vadd.f32 v1, v0;
	v1 =	vmul.f32 v23, v23  }
0x1f1: {  	v5 =	vadd.f32 v33, v5;
	v16 =	vmul.f32 v19, v19;
	v15 =	vadd.f32 v34, v15;
	v23 =	vld [tilespmem:s30+$0x2CA0]  }
0x1f2: {  	v11 =	vadd.f32 v24, v11;
	v19 =	vld [tilespmem:s30+$0xECB0];
	v0 =	vadd.f32 v1, v0;
	v1 =	vmul.f32 v18, v18  }
0x1f3: {  	v8 =	vmul.f32 v8, v8;
	v5 =	vadd.f32 v31, v5;
	v15 =	vadd.f32 v32, v15;
	v18 =	vld [tilespmem:s30+$0x2CB0]  }
0x1f4: {  	v11 =	vadd.f32 v16, v11;
	v24 =	vld [tilespmem:s30+$0xE8C0];
	v0 =	vadd.f32 v1, v0;
	v1 =	vmul.f32 v7, v7  }
0x1f5: {  	v4 =	vmul.f32 v4, v4;
	v5 =	vadd.f32 v22, v5;
	v15 =	vadd.f32 v25, v15;
	v7 =	vld [tilespmem:s30+$0x28C0]  }
0x1f6: {  	v8 =	vadd.f32 v8, v11;
	v32 =	vld [tilespmem:s30+$0xE8D0];
	v0 =	vadd.f32 v1, v0;
	v1 =	vmul.f32 v3, v3  }
0x1f7: {  	v5 =	vadd.f32 v2, v5;
	v16 =	vadd.f32 v14, v15;
	v33 =	vld [tilespmem:s30+$0x28D0]  }
0x1f8: {  	v11 =	vadd.f32 v4, v8;
	v2 =	vld [tilespmem:s30+$0xE8E0];
	v15 =	vadd.f32 v1, v0  }
0x1f9: {  	v0 =	vld [tilespmem:s30+$0x28E0]  }
0x1fa: {  	v1 =	vld [tilespmem:s30+$0xE8F0]  }
0x1fb: {  	v34 =	vld [tilespmem:s30+$0x28F0]  }
0x1fc: {  	v35 =	vld [tilespmem:s30+$0xE880]  }
0x1fd: {  	v36 =	vld [tilespmem:s30+$0x2880]  }
0x1fe: {  	v39 =	vld [tilespmem:s30+$0xE890]  }
0x1ff: {  	v40 =	vld [tilespmem:s30+$0x2890]  }
0x200: {  	v41 =	vld [tilespmem:s30+$0xE8A0]  }
0x201: {  	v42 =	vld [tilespmem:s30+$0x28A0]  }
0x202: {  	v43 =	vld [tilespmem:s30+$0xE8B0]  }
0x203: {  	v44 =	vld [tilespmem:s30+$0x28B0]  }
0x204: {  	v45 =	vld [tilespmem:s30+$0xE4C0]  }
0x205: {  	v46 =	vld [tilespmem:s30+$0x24C0]  }
0x206: {  	v47 =	vld [tilespmem:s30+$0xE4D0]  }
0x207: {  	v48 =	vld [tilespmem:s30+$0x24D0]  }
0x208: {  	v49 =	vld [tilespmem:s30+$0xE4E0]  }
0x209: {  	v50 =	vld [tilespmem:s30+$0x24E0]  }
0x20a: {  	v52 =	vld [tilespmem:s30+$0xE4F0]  }
0x20b: {  	v58 =	vld [tilespmem:s30+$0x24F0]  }
0x20c: {  	v51 =	vld [tilespmem:s30+$0xE480]  }
0x20d: {  	v59 =	vld [tilespmem:s30+$0x2480]  }
0x20e: {  	v60 =	vld [tilespmem:s30+$0xE490]  }
0x20f: {  	v61 =	vld [tilespmem:s30+$0x2490]  }
0x210: {  	v62 =	vld [tilespmem:s30+$0xE4A0]  }
0x211: {  	v63 =	vld [tilespmem:s30+$0x24A0]  }
0x212: {  	v14 =	vld [tilespmem:s30+$0xE4B0]  }
0x213: {  	v37 =	vld [tilespmem:s30+$0x24B0]  }
0x214: {  	v25 =	vsub.f32 v9, v10;
	v22 =	vld [tilespmem:s30+$0xE0C0]  }
0x215: {  	v26 =	vsub.f32 v12, v13;
	v4 =	vsub.f32 v6, v17;
	v10 =	vld [tilespmem:s30+$0x20C0]  }
0x216: {  	v27 =	vsub.f32 v27, v38;
	v3 =	vsub.f32 v20, v28;
	v9 =	vld [tilespmem:s30+$0xE0D0]  }
0x217: {  	v28 =	vsub.f32 v30, v21;
	v8 =	vsub.f32 v29, v23;
	v38 =	vld [tilespmem:s30+$0x20D0]  }
0x218: {  	v31 =	vsub.f32 v24, v7;
	v7 =	vsub.f32 v19, v18;
	v6 =	vld [tilespmem:s30+$0xE0E0]  }
0x219: {  	v32 =	vsub.f32 v32, v33;
	v19 =	vsub.f32 v2, v0;
	v20 =	vld [tilespmem:s30+$0x20E0]  }
0x21a: {  	v18 =	vsub.f32 v1, v34;
	v33 =	vsub.f32 v35, v36;
	v53 =	vld [tilespmem:s30+$0xE080]  }
.Ltmp7:
0x21b: {  	v34 =	vsub.f32 v39, v40;
	v24 =	vsub.f32 v41, v42;
	v55 =	vld [tilespmem:s30+$0x2080];
	(pc) =	sbr.rel @p0 .LBB2_16-.Ltmp7, $4  }
0x21c: {  	v23 =	vsub.f32 v43, v44;
	v35 =	vsub.f32 v45, v46;
	v54 =	vld [tilespmem:s30+$0xE090]  }
0x21d: {  	v36 =	vsub.f32 v47, v48;
	v30 =	vsub.f32 v49, v50;
	v57 =	vld [tilespmem:s30+$0x2090]  }
0x21e: {  	v29 =	vsub.f32 v52, v58;
	v51 =	vsub.f32 v51, v59;
	v56 =	vld [tilespmem:s30+$0xE0A0]  }
0x21f: {  	s0 =	sadd.s32 $0x200, s0;
	v52 =	vsub.f32 v60, v61;
	v21 =	vsub.f32 v62, v63;
	v58 =	vld [tilespmem:s30+$0x20A0]  }
0x220: {  	v0 =	vld [tilespmem:$0x70];
	_ =	sdelay $0x4  }
0x221: {  	v1 =	vshll.u32 v0, $0x2  }
0x222: {  	v0 =	vand.u32 $0x7, v0;
	v1 =	vand.u32 $0xFFFFFFE0, v1  }
0x223: {  	v0 =	vor.u32 v0, v1;
	v1 =	vld [tilespmem:$0x1FFD0];
	_ =	sdelay $0x1  }
0x224: {  	v12 =	vld [tilespmem:$0x1FFE0];
	_ =	sdelay $0x1  }
0x225: {  	v13 =	vld [tilespmem:$0x1FFF0]  }
0x226: {  	v1 =	vperm.xlane v0, v1;
	_ =	sdelay $0x1  }
0x227: {  	v1 =	vadd.s32 v12, v1  }
0x228: {  	v2 =	vld [tilespmem:s30+$0xE0B0]  }
0x229: {  	v59 =	vld [tilespmem:s30+$0x20B0];
	v0 =	vperm.xlane v0, v13  }
0x22a: {  	v60 =	vld [tilespmem:s30+$0xE0F0]  }
0x22b: {  	v61 =	vld [tilespmem:s30+$0x20F0];
	s30 =	simm.s32 $0x0;
	v0 =	vadd.s32 v12, v0  }
0x22c: {  	[tilespmem:s15], [sflag:$0x2] =	stream.indirect_vreg.gather [hbm4b:s2+s30], $0x80, v1, vm0, $0xb8;
	[tilespmem:$0x16100] =	vst v63  }
0x22d: {  	_ = 	snop  }
0x22e: {  	[tilespmem:s16], [sflag:$0x2] =	stream.indirect_vreg.gather [hbm4b:s6+s30], $0x80, v1, vm0, $0xb8;
	[tilespmem:$0x16100] =	vst v63  }
0x22f: {  	_ = 	snop  }
0x230: {  	[tilespmem:s17], [sflag:$0x2] =	stream.indirect_vreg.gather [hbm4b:s2+s30], $0x80, v0, vm0, $0xb8;
	[tilespmem:$0x16100] =	vst v63  }
0x231: {  	_ = 	snop  }
0x232: {  	[tilespmem:s18], [sflag:$0x2] =	stream.indirect_vreg.gather [hbm4b:s6+s30], $0x80, v0, vm0, $0xb8;
	[tilespmem:$0x16100] =	vst v63  }
0x233: {  	_ =	swait.ge [sflag:s26], $0x2000  }
0x234: {  	s0 =	sand.u32 $0x1000, s30;
	s1 =	sand.u32 $0x380, s30;
	[sflag:s26] =	ssyncset.done $0x0  }
0x235: {  	s1 =	sor.u32 s1, s0;
	[sflag:s26] =	ssyncadd.s32 $0xFFFFE000  }
0x236: {  	v0 =	vld [tilespmem:s1+$0x4CC0]  }
0x237: {  	v1 =	vld [tilespmem:s1+$0x4CD0]  }
0x238: {  	v62 =	vld [tilespmem:s1+$0x4CE0]  }
0x239: {  	v63 =	vld [tilespmem:s1+$0x4CF0]  }
0x23a: {  	v39 =	vld [tilespmem:s1+$0x4C80]  }
0x23b: {  	v40 =	vld [tilespmem:s1+$0x4C90]  }
0x23c: {  	v41 =	vld [tilespmem:s1+$0x4CA0]  }
0x23d: {  	v42 =	vld [tilespmem:s1+$0x4CB0]  }
0x23e: {  	v49 =	vld [tilespmem:s1+$0x48C0]  }
0x23f: {  	v50 =	vld [tilespmem:s1+$0x48D0]  }
0x240: {  	v47 =	vld [tilespmem:s1+$0x48E0]  }
0x241: {  	v48 =	vld [tilespmem:s1+$0x48F0]  }
0x242: {  	v45 =	vld [tilespmem:s1+$0x4880]  }
0x243: {  	v46 =	vld [tilespmem:s1+$0x4890]  }
0x244: {  	v37 =	vsub.f32 v14, v37;
	v43 =	vld [tilespmem:s1+$0x48A0]  }
0x245: {  	v53 =	vsub.f32 v53, v55;
	v36 =	vmul.f32 v36, v36;
	v30 =	vmul.f32 v30, v30;
	v44 =	vld [tilespmem:s1+$0x48B0]  }
0x246: {  	v22 =	vsub.f32 v22, v10;
	v33 =	vmul.f32 v33, v33;
	v29 =	vmul.f32 v29, v29;
	v12 =	vld [tilespmem:s1+$0x44C0]  }
0x247: {  	v38 =	vsub.f32 v9, v38;
	v34 =	vmul.f32 v34, v34;
	v24 =	vmul.f32 v24, v24;
	v17 =	vld [tilespmem:s1+$0x4490]  }
0x248: {  	v23 =	vmul.f32 v23, v23;
	v54 =	vsub.f32 v54, v57;
	v53 =	vmul.f32 v53, v53;
	v13 =	vld [tilespmem:s1+$0x44A0]  }
0x249: {  	v22 =	vmul.f32 v22, v22;
	v55 =	vsub.f32 v56, v58;
	v2 =	vsub.f32 v2, v59;
	v14 =	vld [tilespmem:s1+$0x44B0]  }
0x24a: {  	v20 =	vsub.f32 v6, v20;
	v38 =	vmul.f32 v38, v38;
	v54 =	vmul.f32 v54, v54;
	v10 =	vld [tilespmem:s1+$0x40C0]  }
0x24b: {  	v60 =	vsub.f32 v60, v61;
	v55 =	vmul.f32 v55, v55;
	v2 =	vmul.f32 v2, v2;
	v9 =	vld [tilespmem:s1+$0x40D0]  }
0x24c: {  	v20 =	vmul.f32 v20, v20;
	v53 =	vadd.f32 v53, v5;
	v16 =	vadd.f32 v54, v16;
	v6 =	vld [tilespmem:s1+$0x40E0]  }
0x24d: {  	v11 =	vadd.f32 v55, v11;
	v2 =	vadd.f32 v2, v15;
	v15 =	vmul.f32 v60, v60;
	v5 =	vld [tilespmem:s1+$0x40F0]  }
0x24e: {  	v57 =	vmul.f32 v21, v21;
	v56 =	vmul.f32 v52, v52;
	v16 =	vadd.f32 v38, v16;
	v54 =	vld [tilespmem:s1+$0x10080]  }
0x24f: {  	v58 =	vmul.f32 v37, v37;
	v11 =	vadd.f32 v20, v11;
	v2 =	vadd.f32 v15, v2;
	v55 =	vld [tilespmem:s1+$0x4080]  }
0x250: {  	v61 =	vmul.f32 v51, v51;
	v53 =	vadd.f32 v22, v53;
	v16 =	vadd.f32 v56, v16;
	v22 =	vld [tilespmem:s1+$0x4090]  }
0x251: {  	v19 =	vmul.f32 v19, v19;
	v11 =	vadd.f32 v57, v11;
	v2 =	vadd.f32 v58, v2;
	v20 =	vld [tilespmem:s1+$0x40A0]  }
0x252: {  	s0 =	sadd.s32 $0x10080, s1;
	v59 =	vadd.f32 v61, v53;
	v15 =	vmul.f32 v35, v35;
	v16 =	vadd.f32 v36, v16;
	v21 =	vld [tilespmem:s1+$0x40B0]  }
0x253: {  	v18 =	vmul.f32 v18, v18;
	v11 =	vadd.f32 v30, v11;
	v2 =	vadd.f32 v29, v2;
	v38 =	vld [tilespmem:s0+$0xC40]  }
0x254: {  	v7 =	vmul.f32 v7, v7;
	v15 =	vadd.f32 v15, v59;
	v16 =	vadd.f32 v34, v16;
	v51 =	vld [tilespmem:s0+$0xC50]  }
0x255: {  	v11 =	vadd.f32 v24, v11;
	v24 =	vmul.f32 v32, v32;
	v2 =	vadd.f32 v23, v2;
	v35 =	vld [tilespmem:s0+$0xC60]  }
0x256: {  	v3 =	vmul.f32 v3, v3;
	v30 =	vmul.f32 v31, v31;
	v15 =	vadd.f32 v33, v15;
	v36 =	vld [tilespmem:s0+$0xC70]  }
0x257: {  	v16 =	vadd.f32 v24, v16;
	v24 =	vmul.f32 v28, v28;
	v2 =	vadd.f32 v18, v2;
	v37 =	vld [tilespmem:s0+$0xC00]  }
0x258: {  	v23 =	vmul.f32 v27, v27;
	v15 =	vadd.f32 v30, v15;
	v11 =	vadd.f32 v19, v11;
	v29 =	vld [tilespmem:s0+$0xC10]  }
0x259: {  	v19 =	vmul.f32 v26, v26;
	v16 =	vadd.f32 v24, v16;
	v2 =	vadd.f32 v7, v2;
	v33 =	vld [tilespmem:s0+$0xC20]  }
0x25a: {  	v15 =	vadd.f32 v23, v15;
	v27 =	vld [tilespmem:s0+$0x840]  }
0x25b: {  	v23 =	vadd.f32 v19, v16;
	v19 =	vadd.f32 v3, v2;
	v2 =	vld [tilespmem:s0+$0x830]  }
0x25c: {  	v34 =	vld [tilespmem:s0+$0xC30]  }
0x25d: {  	v57 =	vld [tilespmem:s0+$0x810]  }
0x25e: {  	[tilespmem:$0x1FEF0] =	vst v12;
	v12 =	vld [tilespmem:s1+$0x44D0]  }
0x25f: {  	v52 =	vsub.f32 v54, v55;
	v54 =	vld [tilespmem:s0+$0x440];
	v3 =	vsub.f32 v36, v63  }
0x260: {  	v8 =	vmul.f32 v8, v8;
	v36 =	vsub.f32 v27, v49;
	v27 =	vsub.f32 v2, v44;
	v2 =	vld [tilespmem:$0x1FEF0]  }
0x261: {  	v60 =	vld [tilespmem:s0+$0x850]  }
0x262: {  	v8 =	vadd.f32 v8, v11;
	v11 =	vld [tilespmem:s0+$0x800]  }
0x263: {  	v30 =	vsub.f32 v38, v0;
	v0 =	vld [tilespmem:s0+$0x450]  }
0x264: {  	v32 =	vsub.f32 v37, v39;
	[tilespmem:$0x1FF00] =	vst v12;
	v12 =	vld [tilespmem:s1+$0x44E0]  }
0x265: {  	v37 =	vsub.f32 v57, v46;
	v57 =	vsub.f32 v54, v2;
	v2 =	vld [tilespmem:$0x1FF00]  }
0x266: {  	v61 =	vld [tilespmem:s0+$0x860]  }
0x267: {  	v18 =	vmul.f32 v25, v25;
	v25 =	vld [tilespmem:s0+$0x870]  }
0x268: {  	v28 =	vsub.f32 v51, v1;
	v1 =	vld [tilespmem:s0+$0x460]  }
0x269: {  	[tilespmem:$0x1FF10] =	vst v12;
	v12 =	vld [tilespmem:s1+$0x44F0]  }
0x26a: {  	v38 =	vsub.f32 v11, v45;
	v45 =	vsub.f32 v0, v2;
	v0 =	vld [tilespmem:$0x1FF10]  }
0x26b: {  	v16 =	vld [tilespmem:s0+$0x820]  }
0x26c: {  	v4 =	vmul.f32 v4, v4;
	v7 =	vld [tilespmem:s0+$0x400]  }
0x26d: {  	v59 =	vld [tilespmem:s0+$0x410]  }
0x26e: {  	v24 =	vadd.f32 v18, v15;
	v18 =	vadd.f32 v4, v8;
	v55 =	vld [tilespmem:s0+$0x470];
	[tilespmem:$0x1FF20] =	vst v12  }
0x26f: {  	v4 =	vsub.f32 v35, v62;
	v35 =	vsub.f32 v1, v0;
	v0 =	vld [tilespmem:$0x1FF20]  }
0x270: {  	v12 =	vld [tilespmem:s1+$0x4480]  }
0x271: {  	v8 =	vsub.f32 v34, v42;
	v34 =	vsub.f32 v60, v50;
	v60 =	vld [tilespmem:s0+$0x420]  }
0x272: {  	v31 =	vsub.f32 v29, v40;
	v15 =	vsub.f32 v33, v41;
	v62 =	vld [tilespmem:s0+$0x430]  }
0x273: {  	v26 =	vsub.f32 v61, v47;
	v25 =	vsub.f32 v25, v48;
	v61 =	vld [tilespmem:s0+$0x40]  }
0x274: {  	s31 =	simm.s32 $0x200;
	v58 =	vld [tilespmem:s0+$0x50];
	v29 =	vsub.f32 v16, v43;
	v33 =	vsub.f32 v55, v0  }
.LBB2_18:
0x275: {  	p0 =	sne.s32 s31, $0x1E00;
	v0 =	vld [tilespmem:s0+$0x10];
	v1 =	vsub.f32 v7, v12;
	v2 =	vsub.f32 v59, v17  }
0x276: {  	v12 =	vmul.f32 v52, v52;
	v17 =	vmul.f32 v30, v30;
	v16 =	vld [tilespmem:s0+$0x20];
	v13 =	vsub.f32 v60, v13  }
0x277: {  	v40 =	vmul.f32 v32, v32;
	v28 =	vmul.f32 v28, v28;
	s30 =	sadd.s32 $0x80, s30;
	v30 =	vld [tilespmem:s0+$0x30];
	v14 =	vsub.f32 v62, v14  }
0x278: {  	s1 =	sand.u32 $0x1000, s31;
	v41 =	vmul.f32 v36, v36;
	v42 =	vmul.f32 v31, v31;
	s9 =	sand.u32 $0x380, s30;
	v10 =	vsub.f32 v61, v10;
	v32 =	vld [tilespmem:s0+$0x60]  }
0x279: {  	v43 =	vmul.f32 v38, v38;
	v44 =	vmul.f32 v34, v34;
	s1 =	sor.u32 s9, s1;
	v9 =	vsub.f32 v58, v9;
	v36 =	vld [tilespmem:s0+$0x70]  }
0x27a: {  	v46 =	vmul.f32 v37, v37;
	v7 =	vld [tilespmem:s1+$0x4CC0];
	v0 =	vsub.f32 v0, v22;
	v22 =	vmul.f32 v57, v57  }
0x27b: {  	v45 =	vmul.f32 v45, v45;
	v1 =	vmul.f32 v1, v1;
	v11 =	vld [tilespmem:s1+$0x4CD0];
	v20 =	vsub.f32 v16, v20  }
0x27c: {  	v2 =	vmul.f32 v2, v2;
	v10 =	vmul.f32 v10, v10;
	v16 =	vld [tilespmem:s1+$0x4CE0];
	v21 =	vsub.f32 v30, v21  }
0x27d: {  	v9 =	vmul.f32 v9, v9;
	v0 =	vmul.f32 v0, v0;
	v31 =	vld [tilespmem:s1+$0x4CF0];
	v6 =	vsub.f32 v32, v6  }
0x27e: {  	v20 =	vmul.f32 v20, v20;
	v32 =	vld [tilespmem:s1+$0x4C80];
	v21 =	vmul.f32 v21, v21;
	v5 =	vsub.f32 v36, v5  }
0x27f: {  	v12 =	vadd.f32 v12, v24;
	v0 =	vadd.f32 v0, v23;
	v34 =	vld [tilespmem:s1+$0x4C90];
	v6 =	vmul.f32 v6, v6  }
0x280: {  	v18 =	vadd.f32 v20, v18;
	v36 =	vld [tilespmem:s1+$0x4CA0];
	v19 =	vadd.f32 v21, v19;
	v5 =	vmul.f32 v5, v5  }
0x281: {  	v10 =	vadd.f32 v10, v12;
	v0 =	vadd.f32 v9, v0;
	v9 =	vmul.f32 v13, v13;
	v37 =	vld [tilespmem:s1+$0x4CB0]  }
0x282: {  	v12 =	vmul.f32 v14, v14;
	v6 =	vadd.f32 v6, v18;
	v38 =	vld [tilespmem:s1+$0x48C0];
	v5 =	vadd.f32 v5, v19  }
0x283: {  	v1 =	vadd.f32 v1, v10;
	v0 =	vadd.f32 v2, v0;
	v2 =	vmul.f32 v35, v35;
	v39 =	vld [tilespmem:s1+$0x48D0]  }
0x284: {  	v6 =	vadd.f32 v9, v6;
	v9 =	vmul.f32 v33, v33;
	v35 =	vld [tilespmem:s1+$0x48E0];
	v5 =	vadd.f32 v12, v5  }
0x285: {  	v10 =	vmul.f32 v29, v29;
	v1 =	vadd.f32 v22, v1;
	v0 =	vadd.f32 v45, v0;
	v33 =	vld [tilespmem:s1+$0x48F0]  }
0x286: {  	v2 =	vadd.f32 v2, v6;
	v6 =	vmul.f32 v27, v27;
	v29 =	vld [tilespmem:s1+$0x4880];
	v5 =	vadd.f32 v9, v5  }
0x287: {  	v1 =	vadd.f32 v43, v1;
	v0 =	vadd.f32 v46, v0;
	v9 =	vmul.f32 v26, v26;
	v27 =	vld [tilespmem:s1+$0x4890]  }
0x288: {  	v2 =	vadd.f32 v10, v2;
	v43 =	vld [tilespmem:s1+$0x48A0];
	v5 =	vadd.f32 v6, v5;
	v6 =	vmul.f32 v25, v25  }
0x289: {  	v1 =	vadd.f32 v41, v1;
	v10 =	vmul.f32 v15, v15;
	v0 =	vadd.f32 v44, v0;
	v45 =	vld [tilespmem:s1+$0x48B0]  }
0x28a: {  	v2 =	vadd.f32 v9, v2;
	v41 =	vld [tilespmem:s1+$0x44C0];
	v5 =	vadd.f32 v6, v5;
	v6 =	vmul.f32 v8, v8  }
0x28b: {  	v4 =	vmul.f32 v4, v4;
	v1 =	vadd.f32 v40, v1;
	v0 =	vadd.f32 v42, v0;
	v44 =	vld [tilespmem:s1+$0x44D0]  }
0x28c: {  	v3 =	vmul.f32 v3, v3;
	v2 =	vadd.f32 v10, v2;
	v40 =	vld [tilespmem:s1+$0x44E0];
	v5 =	vadd.f32 v6, v5  }
0x28d: {  	v24 =	vadd.f32 v17, v1;
	v23 =	vadd.f32 v28, v0;
	v42 =	vld [tilespmem:s1+$0x44F0]  }
0x28e: {  	v18 =	vadd.f32 v4, v2;
	v12 =	vld [tilespmem:s1+$0x4480];
	v19 =	vadd.f32 v3, v5  }
0x28f: {  	v17 =	vld [tilespmem:s1+$0x4490]  }
0x290: {  	v13 =	vld [tilespmem:s1+$0x44A0]  }
0x291: {  	v14 =	vld [tilespmem:s1+$0x44B0]  }
0x292: {  	v10 =	vld [tilespmem:s1+$0x40C0]  }
0x293: {  	v9 =	vld [tilespmem:s1+$0x40D0]  }
0x294: {  	v6 =	vld [tilespmem:s1+$0x40E0]  }
0x295: {  	v5 =	vld [tilespmem:s1+$0x40F0]  }
0x296: {  	v0 =	vld [tilespmem:s1+$0x10080]  }
0x297: {  	v1 =	vld [tilespmem:s1+$0x4080]  }
0x298: {  	v22 =	vld [tilespmem:s1+$0x4090]  }
0x299: {  	v20 =	vld [tilespmem:s1+$0x40A0]  }
0x29a: {  	s0 =	sadd.s32 $0x10080, s1;
	v21 =	vld [tilespmem:s1+$0x40B0]  }
0x29b: {  	v2 =	vld [tilespmem:s0+$0xC40]  }
0x29c: {  	v3 =	vld [tilespmem:s0+$0xC50]  }
0x29d: {  	v4 =	vld [tilespmem:s0+$0xC60]  }
0x29e: {  	v8 =	vld [tilespmem:s0+$0xC70]  }
0x29f: {  	v15 =	vld [tilespmem:s0+$0xC00]  }
0x2a0: {  	v25 =	vld [tilespmem:s0+$0xC10]  }
0x2a1: {  	v26 =	vld [tilespmem:s0+$0xC20]  }
0x2a2: {  	v46 =	vld [tilespmem:s0+$0xC30]  }
0x2a3: {  	v47 =	vld [tilespmem:s0+$0x840]  }
0x2a4: {  	v48 =	vld [tilespmem:s0+$0x850]  }
0x2a5: {  	v49 =	vld [tilespmem:s0+$0x860]  }
0x2a6: {  	v50 =	vld [tilespmem:s0+$0x870]  }
0x2a7: {  	v51 =	vld [tilespmem:s0+$0x800]  }
0x2a8: {  	v53 =	vld [tilespmem:s0+$0x810]  }
0x2a9: {  	v54 =	vld [tilespmem:s0+$0x820]  }
0x2aa: {  	v52 =	vsub.f32 v0, v1;
	v0 =	vld [tilespmem:s0+$0x830]  }
0x2ab: {  	v30 =	vsub.f32 v2, v7;
	v28 =	vsub.f32 v3, v11;
	v1 =	vld [tilespmem:s0+$0x440]  }
0x2ac: {  	v4 =	vsub.f32 v4, v16;
	v3 =	vsub.f32 v8, v31;
	v2 =	vld [tilespmem:s0+$0x450]  }
0x2ad: {  	v32 =	vsub.f32 v15, v32;
	v31 =	vsub.f32 v25, v34;
	v11 =	vld [tilespmem:s0+$0x460]  }
0x2ae: {  	v15 =	vsub.f32 v26, v36;
	v8 =	vsub.f32 v46, v37;
	v16 =	vld [tilespmem:s0+$0x470]  }
0x2af: {  	v36 =	vsub.f32 v47, v38;
	v34 =	vsub.f32 v48, v39;
	v7 =	vld [tilespmem:s0+$0x400]  }
.Ltmp8:
0x2b0: {  	v26 =	vsub.f32 v49, v35;
	v25 =	vsub.f32 v50, v33;
	v59 =	vld [tilespmem:s0+$0x410];
	(pc) =	sbr.rel @p0 .LBB2_18-.Ltmp8, $4  }
0x2b1: {  	v38 =	vsub.f32 v51, v29;
	v37 =	vsub.f32 v53, v27;
	v60 =	vld [tilespmem:s0+$0x420]  }
0x2b2: {  	v29 =	vsub.f32 v54, v43;
	v27 =	vsub.f32 v0, v45;
	v62 =	vld [tilespmem:s0+$0x430]  }
0x2b3: {  	v57 =	vsub.f32 v1, v41;
	v45 =	vsub.f32 v2, v44;
	v61 =	vld [tilespmem:s0+$0x40]  }
0x2b4: {  	s31 =	sadd.s32 $0x200, s31;
	v35 =	vsub.f32 v11, v40;
	v33 =	vsub.f32 v16, v42;
	v58 =	vld [tilespmem:s0+$0x50]  }
0x2b5: {  	v1 =	vld [tilespmem:s0+$0x10]  }
0x2b6: {  	v2 =	vld [tilespmem:s0+$0x20]  }
0x2b7: {  	v39 =	vld [tilespmem:s0+$0x30]  }
0x2b8: {  	v63 =	vld [tilespmem:s0+$0x60]  }
0x2b9: {  	v40 =	vld [tilespmem:s0+$0x70];
	_ =	swait.ge [sflag:s24], $0x2000;
	s30 =	simm.s32 $0x0  }
0x2ba: {  	[sflag:s24] =	ssyncset.done $0x0;
	s28 =	sand.u32 $0x1000, s30;
	s1 =	sand.u32 $0x380, s30  }
0x2bb: {  	[sflag:s24] =	ssyncadd.s32 $0xFFFFE000;
	s1 =	sor.u32 s1, s28  }
0x2bc: {  	v0 =	vld [tilespmem:s1+$0x8A0];
	_ =	sdelay $0x4  }
0x2bd: {  	[tilespmem:$0x1FE90] =	vst v0;
	v0 =	vld [tilespmem:s1+$0x8B0];
	_ =	sdelay $0x4  }
0x2be: {  	[tilespmem:$0x1FEA0] =	vst v0;
	v0 =	vld [tilespmem:s1+$0x4C0];
	_ =	sdelay $0x4  }
0x2bf: {  	[tilespmem:$0x1FEB0] =	vst v0;
	v0 =	vld [tilespmem:s1+$0x4D0];
	_ =	sdelay $0x3  }
0x2c0: {  	v42 =	vld [tilespmem:s1+$0xCC0]  }
0x2c1: {  	[tilespmem:$0x1FEC0] =	vst v0;
	v0 =	vld [tilespmem:s1+$0x4E0]  }
0x2c2: {  	v41 =	vld [tilespmem:s1+$0xCD0]  }
0x2c3: {  	v59 =	vsub.f32 v59, v17;
	v44 =	vld [tilespmem:s1+$0xCE0]  }
0x2c4: {  	v60 =	vsub.f32 v60, v13;
	v14 =	vsub.f32 v62, v14;
	v43 =	vld [tilespmem:s1+$0xCF0]  }
0x2c5: {  	v33 =	vmul.f32 v33, v33;
	v55 =	vld [tilespmem:s1+$0xC80];
	v17 =	vsub.f32 v61, v10;
	v9 =	vsub.f32 v58, v9  }
0x2c6: {  	v14 =	vmul.f32 v14, v14;
	v1 =	vsub.f32 v1, v22;
	v2 =	vsub.f32 v2, v20;
	[tilespmem:$0x1FED0] =	vst v0;
	v0 =	vld [tilespmem:s1+$0x4F0]  }
0x2c7: {  	v56 =	vld [tilespmem:s1+$0xC90];
	v20 =	vmul.f32 v52, v52;
	v21 =	vsub.f32 v39, v21;
	v17 =	vmul.f32 v17, v17  }
0x2c8: {  	v53 =	vld [tilespmem:s1+$0xCA0];
	v22 =	vsub.f32 v63, v6;
	v52 =	vmul.f32 v57, v57;
	v1 =	vmul.f32 v1, v1  }
0x2c9: {  	v54 =	vld [tilespmem:s1+$0xCB0];
	v63 =	vsub.f32 v40, v5;
	v9 =	vmul.f32 v9, v9;
	v2 =	vmul.f32 v2, v2  }
0x2ca: {  	v50 =	vld [tilespmem:s1+$0x8C0];
	v20 =	vadd.f32 v20, v24;
	v21 =	vmul.f32 v21, v21;
	v1 =	vadd.f32 v1, v23  }
0x2cb: {  	v51 =	vld [tilespmem:s1+$0x8D0];
	v22 =	vmul.f32 v22, v22;
	v2 =	vadd.f32 v2, v18;
	[tilespmem:$0x1FEE0] =	vst v0;
	v0 =	vsub.f32 v7, v12  }
0x2cc: {  	v48 =	vld [tilespmem:s1+$0x8E0];
	v18 =	vadd.f32 v21, v19;
	v21 =	vmul.f32 v63, v63;
	v20 =	vadd.f32 v17, v20  }
0x2cd: {  	v49 =	vld [tilespmem:s1+$0x8F0];
	v1 =	vadd.f32 v9, v1;
	v9 =	vmul.f32 v59, v59;
	v0 =	vmul.f32 v0, v0  }
0x2ce: {  	v46 =	vld [tilespmem:s1+$0x880];
	v2 =	vadd.f32 v22, v2;
	v22 =	vmul.f32 v60, v60;
	v21 =	vadd.f32 v21, v18  }
0x2cf: {  	v47 =	vld [tilespmem:s1+$0x890];
	v1 =	vadd.f32 v9, v1;
	v9 =	vmul.f32 v45, v45;
	v0 =	vadd.f32 v0, v20  }
0x2d0: {  	v11 =	vld [tilespmem:s1+$0x480];
	v2 =	vadd.f32 v22, v2;
	v14 =	vadd.f32 v14, v21;
	v20 =	vmul.f32 v35, v35  }
0x2d1: {  	v16 =	vld [tilespmem:s1+$0x490];
	v21 =	vmul.f32 v38, v38;
	v1 =	vadd.f32 v9, v1;
	v0 =	vadd.f32 v52, v0  }
0x2d2: {  	v37 =	vmul.f32 v37, v37;
	v13 =	vld [tilespmem:s1+$0x4B0];
	v14 =	vadd.f32 v33, v14;
	v2 =	vadd.f32 v20, v2  }
0x2d3: {  	v10 =	vld [tilespmem:s1+$0xC0];
	s0 =	sadd.s32 $0x12080, s1;
	v20 =	vmul.f32 v27, v27;
	v0 =	vadd.f32 v21, v0;
	v21 =	vmul.f32 v36, v36  }
0x2d4: {  	v58 =	vld [tilespmem:s0+$0xC00];
	v1 =	vadd.f32 v37, v1;
	v27 =	vmul.f32 v34, v34  }
0x2d5: {  	v61 =	vld [tilespmem:s0+$0xC30];
	v14 =	vadd.f32 v20, v14;
	v20 =	vmul.f32 v32, v32;
	v0 =	vadd.f32 v21, v0  }
0x2d6: {  	v62 =	vld [tilespmem:s0+$0x840];
	v1 =	vadd.f32 v27, v1  }
0x2d7: {  	v6 =	vld [tilespmem:s1+$0xE0];
	v21 =	vmul.f32 v31, v31;
	v0 =	vadd.f32 v20, v0;
	v20 =	vmul.f32 v30, v30  }
0x2d8: {  	v5 =	vld [tilespmem:s1+$0xF0]  }
0x2d9: {  	v1 =	vadd.f32 v21, v1;
	v21 =	vadd.f32 v20, v0;
	v0 =	vld [tilespmem:s0+$0x810]  }
0x2da: {  	v29 =	vmul.f32 v29, v29;
	v40 =	vld [tilespmem:s0+$0xC40]  }
0x2db: {  	v57 =	vld [tilespmem:s0+$0xC60];
	v27 =	vmul.f32 v28, v28  }
0x2dc: {  	v26 =	vmul.f32 v26, v26;
	v2 =	vadd.f32 v29, v2;
	v28 =	vld [tilespmem:s0+$0x800]  }
0x2dd: {  	v25 =	vmul.f32 v25, v25;
	v20 =	vadd.f32 v27, v1;
	v1 =	vld [tilespmem:s0+$0x820]  }
0x2de: {  	v15 =	vmul.f32 v15, v15;
	v2 =	vadd.f32 v26, v2;
	v36 =	vsub.f32 v0, v47;
	v0 =	vld [tilespmem:$0x1FE90]  }
0x2df: {  	v8 =	vmul.f32 v8, v8;
	v24 =	vld [tilespmem:s1+$0x80]  }
0x2e0: {  	v4 =	vmul.f32 v4, v4;
	v23 =	vld [tilespmem:s1+$0x12080];
	v14 =	vadd.f32 v25, v14;
	v2 =	vadd.f32 v15, v2  }
0x2e1: {  	v26 =	vld [tilespmem:s0+$0x850]  }
0x2e2: {  	v8 =	vadd.f32 v8, v14;
	v14 =	vadd.f32 v4, v2;
	v2 =	vld [tilespmem:s0+$0x830]  }
0x2e3: {  	v37 =	vsub.f32 v28, v46;
	v28 =	vsub.f32 v1, v0;
	v0 =	vld [tilespmem:$0x1FEA0]  }
0x2e4: {  	v39 =	vld [tilespmem:s0+$0x460]  }
0x2e5: {  	v19 =	vld [tilespmem:s1+$0x90]  }
0x2e6: {  	v59 =	vld [tilespmem:s0+$0xC10]  }
0x2e7: {  	v52 =	vsub.f32 v23, v24;
	v23 =	vld [tilespmem:s0+$0x440]  }
0x2e8: {  	v33 =	vsub.f32 v26, v51;
	v26 =	vsub.f32 v2, v0;
	v0 =	vld [tilespmem:$0x1FEB0]  }
0x2e9: {  	v17 =	vld [tilespmem:s1+$0xA0]  }
0x2ea: {  	v63 =	vld [tilespmem:s0+$0x870]  }
0x2eb: {  	v18 =	vld [tilespmem:s1+$0xB0]  }
0x2ec: {  	v24 =	vld [tilespmem:s0+$0x450]  }
0x2ed: {  	v30 =	vsub.f32 v59, v56;
	v56 =	vsub.f32 v23, v0;
	v0 =	vld [tilespmem:$0x1FEC0]  }
0x2ee: {  	v60 =	vld [tilespmem:s0+$0xC20]  }
0x2ef: {  	v22 =	vld [tilespmem:s0+$0xC50]  }
0x2f0: {  	v9 =	vld [tilespmem:s0+$0xC70]  }
0x2f1: {  	v12 =	vld [tilespmem:s1+$0x4A0]  }
0x2f2: {  	v4 =	vsub.f32 v57, v44;
	v44 =	vsub.f32 v24, v0;
	v0 =	vld [tilespmem:$0x1FED0]  }
0x2f3: {  	v7 =	vld [tilespmem:s1+$0xD0]  }
0x2f4: {  	v25 =	vld [tilespmem:s0+$0x860]  }
0x2f5: {  	v59 =	vld [tilespmem:s0+$0x410]  }
0x2f6: {  	v3 =	vmul.f32 v3, v3;
	v27 =	vsub.f32 v22, v41;
	v41 =	vld [tilespmem:s0+$0x470]  }
0x2f7: {  	v34 =	vsub.f32 v39, v0;
	v0 =	vld [tilespmem:$0x1FEE0]  }
0x2f8: {  	v35 =	vsub.f32 v62, v50;
	v15 =	vadd.f32 v3, v8;
	v57 =	vld [tilespmem:s0+$0x400]  }
0x2f9: {  	v3 =	vsub.f32 v9, v43;
	v9 =	vsub.f32 v60, v53;
	v60 =	vld [tilespmem:s0+$0x420]  }
0x2fa: {  	v62 =	vld [tilespmem:s0+$0x430];
	v29 =	vsub.f32 v40, v42;
	v31 =	vsub.f32 v58, v55  }
0x2fb: {  	v8 =	vsub.f32 v61, v54;
	v22 =	vsub.f32 v63, v49;
	v61 =	vld [tilespmem:s0+$0x40]  }
0x2fc: {  	s31 =	simm.s32 $0x200;
	v58 =	vld [tilespmem:s0+$0x50];
	v25 =	vsub.f32 v25, v48;
	v32 =	vsub.f32 v41, v0  }
.LBB2_20:
0x2fd: {  	p0 =	sne.s32 s31, $0x1E00;
	v0 =	vld [tilespmem:s0+$0x10];
	v1 =	vsub.f32 v57, v11;
	v2 =	vsub.f32 v59, v16  }
0x2fe: {  	v11 =	vmul.f32 v52, v52;
	v29 =	vmul.f32 v29, v29;
	v16 =	vld [tilespmem:s0+$0x20];
	v12 =	vsub.f32 v60, v12  }
0x2ff: {  	v40 =	vmul.f32 v31, v31;
	v27 =	vmul.f32 v27, v27;
	s30 =	sadd.s32 $0x80, s30;
	v38 =	vld [tilespmem:s0+$0x30];
	v13 =	vsub.f32 v62, v13  }
0x300: {  	s1 =	sand.u32 $0x1000, s31;
	v41 =	vmul.f32 v35, v35;
	v42 =	vmul.f32 v30, v30;
	s9 =	sand.u32 $0x380, s30;
	v10 =	vsub.f32 v61, v10;
	v39 =	vld [tilespmem:s0+$0x60]  }
0x301: {  	v43 =	vmul.f32 v37, v37;
	v45 =	vmul.f32 v33, v33;
	s1 =	sor.u32 s9, s1;
	v7 =	vsub.f32 v58, v7;
	v35 =	vld [tilespmem:s0+$0x70]  }
0x302: {  	v46 =	vmul.f32 v36, v36;
	v23 =	vld [tilespmem:s1+$0xCC0];
	v0 =	vsub.f32 v0, v19;
	v19 =	vmul.f32 v56, v56  }
0x303: {  	v1 =	vmul.f32 v1, v1;
	v24 =	vld [tilespmem:s1+$0xCD0];
	v16 =	vsub.f32 v16, v17;
	v17 =	vmul.f32 v44, v44  }
0x304: {  	v2 =	vmul.f32 v2, v2;
	v10 =	vmul.f32 v10, v10;
	v30 =	vld [tilespmem:s1+$0xCE0];
	v18 =	vsub.f32 v38, v18  }
0x305: {  	v7 =	vmul.f32 v7, v7;
	v0 =	vmul.f32 v0, v0;
	v31 =	vld [tilespmem:s1+$0xCF0];
	v6 =	vsub.f32 v39, v6  }
0x306: {  	v16 =	vmul.f32 v16, v16;
	v33 =	vld [tilespmem:s1+$0xC80];
	v18 =	vmul.f32 v18, v18;
	v5 =	vsub.f32 v35, v5  }
0x307: {  	v11 =	vadd.f32 v11, v21;
	v0 =	vadd.f32 v0, v20;
	v35 =	vld [tilespmem:s1+$0xC90];
	v6 =	vmul.f32 v6, v6  }
0x308: {  	v14 =	vadd.f32 v16, v14;
	v36 =	vld [tilespmem:s1+$0xCA0];
	v15 =	vadd.f32 v18, v15;
	v5 =	vmul.f32 v5, v5  }
0x309: {  	v10 =	vadd.f32 v10, v11;
	v0 =	vadd.f32 v7, v0;
	v7 =	vmul.f32 v12, v12;
	v37 =	vld [tilespmem:s1+$0xCB0]  }
0x30a: {  	v11 =	vmul.f32 v13, v13;
	v6 =	vadd.f32 v6, v14;
	v38 =	vld [tilespmem:s1+$0x8C0];
	v5 =	vadd.f32 v5, v15  }
0x30b: {  	v1 =	vadd.f32 v1, v10;
	v0 =	vadd.f32 v2, v0;
	v2 =	vmul.f32 v34, v34;
	v39 =	vld [tilespmem:s1+$0x8D0]  }
0x30c: {  	v6 =	vadd.f32 v7, v6;
	v7 =	vmul.f32 v32, v32;
	v34 =	vld [tilespmem:s1+$0x8E0];
	v5 =	vadd.f32 v11, v5  }
0x30d: {  	v10 =	vmul.f32 v28, v28;
	v1 =	vadd.f32 v19, v1;
	v0 =	vadd.f32 v17, v0;
	v32 =	vld [tilespmem:s1+$0x8F0]  }
0x30e: {  	v2 =	vadd.f32 v2, v6;
	v6 =	vmul.f32 v26, v26;
	v28 =	vld [tilespmem:s1+$0x880];
	v5 =	vadd.f32 v7, v5  }
0x30f: {  	v1 =	vadd.f32 v43, v1;
	v0 =	vadd.f32 v46, v0;
	v7 =	vmul.f32 v25, v25;
	v26 =	vld [tilespmem:s1+$0x890]  }
0x310: {  	v2 =	vadd.f32 v10, v2;
	v43 =	vld [tilespmem:s1+$0x8A0];
	v5 =	vadd.f32 v6, v5;
	v6 =	vmul.f32 v22, v22  }
0x311: {  	v9 =	vmul.f32 v9, v9;
	v1 =	vadd.f32 v41, v1;
	v0 =	vadd.f32 v45, v0;
	v44 =	vld [tilespmem:s1+$0x8B0]  }
0x312: {  	v2 =	vadd.f32 v7, v2;
	v41 =	vld [tilespmem:s1+$0x4C0];
	v5 =	vadd.f32 v6, v5;
	v6 =	vmul.f32 v8, v8  }
0x313: {  	v4 =	vmul.f32 v4, v4;
	v1 =	vadd.f32 v40, v1;
	v0 =	vadd.f32 v42, v0;
	v45 =	vld [tilespmem:s1+$0x4D0]  }
0x314: {  	v3 =	vmul.f32 v3, v3;
	v2 =	vadd.f32 v9, v2;
	v40 =	vld [tilespmem:s1+$0x4E0];
	v5 =	vadd.f32 v6, v5  }
0x315: {  	v21 =	vadd.f32 v29, v1;
	v20 =	vadd.f32 v27, v0;
	v42 =	vld [tilespmem:s1+$0x4F0]  }
0x316: {  	v14 =	vadd.f32 v4, v2;
	v11 =	vld [tilespmem:s1+$0x480];
	v15 =	vadd.f32 v3, v5  }
0x317: {  	v16 =	vld [tilespmem:s1+$0x490]  }
0x318: {  	v12 =	vld [tilespmem:s1+$0x4A0]  }
0x319: {  	v13 =	vld [tilespmem:s1+$0x4B0]  }
0x31a: {  	v10 =	vld [tilespmem:s1+$0xC0]  }
0x31b: {  	v7 =	vld [tilespmem:s1+$0xD0]  }
0x31c: {  	v6 =	vld [tilespmem:s1+$0xE0]  }
0x31d: {  	v5 =	vld [tilespmem:s1+$0xF0]  }
0x31e: {  	v0 =	vld [tilespmem:s1+$0x12080]  }
0x31f: {  	v1 =	vld [tilespmem:s1+$0x80]  }
0x320: {  	v19 =	vld [tilespmem:s1+$0x90]  }
0x321: {  	v17 =	vld [tilespmem:s1+$0xA0]  }
0x322: {  	s0 =	sadd.s32 $0x12080, s1;
	v18 =	vld [tilespmem:s1+$0xB0]  }
0x323: {  	v2 =	vld [tilespmem:s0+$0xC40]  }
0x324: {  	v3 =	vld [tilespmem:s0+$0xC50]  }
0x325: {  	v4 =	vld [tilespmem:s0+$0xC60]  }
0x326: {  	v8 =	vld [tilespmem:s0+$0xC70]  }
0x327: {  	v9 =	vld [tilespmem:s0+$0xC00]  }
0x328: {  	v22 =	vld [tilespmem:s0+$0xC10]  }
0x329: {  	v25 =	vld [tilespmem:s0+$0xC20]  }
0x32a: {  	v46 =	vld [tilespmem:s0+$0xC30]  }
0x32b: {  	v47 =	vld [tilespmem:s0+$0x840]  }
0x32c: {  	v48 =	vld [tilespmem:s0+$0x850]  }
0x32d: {  	v49 =	vld [tilespmem:s0+$0x860]  }
0x32e: {  	v50 =	vld [tilespmem:s0+$0x870]  }
0x32f: {  	v51 =	vld [tilespmem:s0+$0x800]  }
0x330: {  	v53 =	vld [tilespmem:s0+$0x810]  }
0x331: {  	v54 =	vld [tilespmem:s0+$0x820]  }
0x332: {  	v52 =	vsub.f32 v0, v1;
	v0 =	vld [tilespmem:s0+$0x830]  }
0x333: {  	v29 =	vsub.f32 v2, v23;
	v27 =	vsub.f32 v3, v24;
	v1 =	vld [tilespmem:s0+$0x440]  }
0x334: {  	v4 =	vsub.f32 v4, v30;
	v3 =	vsub.f32 v8, v31;
	v2 =	vld [tilespmem:s0+$0x450]  }
0x335: {  	v31 =	vsub.f32 v9, v33;
	v30 =	vsub.f32 v22, v35;
	v23 =	vld [tilespmem:s0+$0x460]  }
0x336: {  	v9 =	vsub.f32 v25, v36;
	v8 =	vsub.f32 v46, v37;
	v24 =	vld [tilespmem:s0+$0x470]  }
0x337: {  	v35 =	vsub.f32 v47, v38;
	v33 =	vsub.f32 v48, v39;
	v57 =	vld [tilespmem:s0+$0x400]  }
.Ltmp9:
0x338: {  	v25 =	vsub.f32 v49, v34;
	v22 =	vsub.f32 v50, v32;
	v59 =	vld [tilespmem:s0+$0x410];
	(pc) =	sbr.rel @p0 .LBB2_20-.Ltmp9, $4  }
0x339: {  	v37 =	vsub.f32 v51, v28;
	v36 =	vsub.f32 v53, v26;
	v60 =	vld [tilespmem:s0+$0x420]  }
0x33a: {  	v28 =	vsub.f32 v54, v43;
	v26 =	vsub.f32 v0, v44;
	v62 =	vld [tilespmem:s0+$0x430]  }
0x33b: {  	v56 =	vsub.f32 v1, v41;
	v44 =	vsub.f32 v2, v45;
	v61 =	vld [tilespmem:s0+$0x40]  }
0x33c: {  	s31 =	sadd.s32 $0x200, s31;
	v34 =	vsub.f32 v23, v40;
	v32 =	vsub.f32 v24, v42;
	v58 =	vld [tilespmem:s0+$0x50]  }
0x33d: {  	v0 =	vld [tilespmem:s0+$0x10]  }
0x33e: {  	v1 =	vld [tilespmem:s0+$0x20]  }
0x33f: {  	v2 =	vld [tilespmem:s0+$0x30]  }
0x340: {  	v63 =	vld [tilespmem:s0+$0x60]  }
0x341: {  	v38 =	vld [tilespmem:s0+$0x70];
	_ =	swait.ge [sflag:s25], $0x2000;
	s30 =	simm.s32 $0x0  }
0x342: {  	[sflag:s25] =	ssyncset.done $0x0;
	s28 =	sand.u32 $0x1000, s30;
	s1 =	sand.u32 $0x380, s30  }
0x343: {  	[sflag:s25] =	ssyncadd.s32 $0xFFFFE000;
	s1 =	sor.u32 s1, s28  }
0x344: {  	v39 =	vld [tilespmem:s1+$0x2CC0]  }
0x345: {  	v40 =	vld [tilespmem:s1+$0x2CD0]  }
0x346: {  	v41 =	vld [tilespmem:s1+$0x2CE0]  }
0x347: {  	v42 =	vld [tilespmem:s1+$0x2CF0]  }
0x348: {  	v54 =	vld [tilespmem:s1+$0x2C80]  }
0x349: {  	v55 =	vld [tilespmem:s1+$0x2C90]  }
0x34a: {  	v51 =	vld [tilespmem:s1+$0x2CA0]  }
0x34b: {  	v53 =	vld [tilespmem:s1+$0x2CB0]  }
0x34c: {  	v49 =	vld [tilespmem:s1+$0x28C0]  }
0x34d: {  	v50 =	vld [tilespmem:s1+$0x28D0]  }
0x34e: {  	v47 =	vld [tilespmem:s1+$0x28E0]  }
0x34f: {  	v48 =	vld [tilespmem:s1+$0x28F0]  }
0x350: {  	v45 =	vld [tilespmem:s1+$0x2880]  }
0x351: {  	v46 =	vld [tilespmem:s1+$0x2890]  }
0x352: {  	v57 =	vsub.f32 v57, v11;
	v23 =	vld [tilespmem:s1+$0x28A0]  }
0x353: {  	v59 =	vsub.f32 v59, v16;
	v60 =	vsub.f32 v60, v12;
	v43 =	vld [tilespmem:s1+$0x28B0]  }
0x354: {  	v36 =	vmul.f32 v36, v36;
	v62 =	vsub.f32 v62, v13;
	v24 =	vld [tilespmem:s1+$0x2490];
	v12 =	vsub.f32 v61, v10  }
0x355: {  	v26 =	vmul.f32 v26, v26;
	v16 =	vld [tilespmem:s1+$0x24A0];
	v13 =	vsub.f32 v58, v7;
	v0 =	vsub.f32 v0, v19  }
0x356: {  	v11 =	vld [tilespmem:s1+$0x24B0];
	v1 =	vsub.f32 v1, v17;
	v17 =	vmul.f32 v52, v52;
	v2 =	vsub.f32 v2, v18  }
0x357: {  	v10 =	vld [tilespmem:s1+$0x20C0];
	v18 =	vsub.f32 v63, v6;
	v12 =	vmul.f32 v12, v12;
	v0 =	vmul.f32 v0, v0  }
0x358: {  	s0 =	sadd.s32 $0x14080, s1;
	v7 =	vld [tilespmem:s1+$0x20D0];
	v19 =	vsub.f32 v38, v5;
	v1 =	vmul.f32 v1, v1;
	v2 =	vmul.f32 v2, v2  }
0x359: {  	v61 =	vld [tilespmem:s0+$0xC50];
	v13 =	vmul.f32 v13, v13;
	v17 =	vadd.f32 v17, v21;
	v0 =	vadd.f32 v0, v20  }
0x35a: {  	v58 =	vld [tilespmem:s0+$0xC30];
	v18 =	vmul.f32 v18, v18;
	v1 =	vadd.f32 v1, v14;
	v2 =	vadd.f32 v2, v15  }
0x35b: {  	v6 =	vld [tilespmem:s1+$0x20E0];
	v14 =	vmul.f32 v19, v19;
	v17 =	vadd.f32 v12, v17;
	v19 =	vmul.f32 v57, v57  }
0x35c: {  	v5 =	vld [tilespmem:s1+$0x20F0];
	v0 =	vadd.f32 v13, v0;
	v1 =	vadd.f32 v18, v1;
	v18 =	vmul.f32 v59, v59  }
0x35d: {  	v63 =	vld [tilespmem:s0+$0xC00];
	v59 =	vmul.f32 v60, v60;
	v2 =	vadd.f32 v14, v2;
	v60 =	vmul.f32 v62, v62  }
0x35e: {  	v32 =	vmul.f32 v32, v32;
	v21 =	vld [tilespmem:s1+$0x2080];
	v14 =	vmul.f32 v56, v56;
	v17 =	vadd.f32 v19, v17  }
0x35f: {  	[tilespmem:$0x1FE40] =	vst v23;
	v23 =	vld [tilespmem:s1+$0x24C0];
	v0 =	vadd.f32 v18, v0;
	v18 =	vmul.f32 v44, v44;
	v2 =	vadd.f32 v60, v2  }
0x360: {  	v33 =	vmul.f32 v33, v33;
	v20 =	vld [tilespmem:s1+$0x14080];
	v14 =	vadd.f32 v14, v17;
	v17 =	vmul.f32 v37, v37  }
0x361: {  	v34 =	vmul.f32 v34, v34;
	v15 =	vld [tilespmem:s1+$0x2090];
	v0 =	vadd.f32 v18, v0;
	v2 =	vadd.f32 v32, v2  }
0x362: {  	v12 =	vld [tilespmem:s1+$0x20A0];
	v1 =	vadd.f32 v59, v1;
	v14 =	vadd.f32 v17, v14;
	v17 =	vmul.f32 v35, v35  }
0x363: {  	v22 =	vmul.f32 v22, v22;
	v57 =	vld [tilespmem:s0+$0xC10];
	v0 =	vadd.f32 v36, v0;
	v2 =	vadd.f32 v26, v2  }
0x364: {  	v28 =	vmul.f32 v28, v28;
	v13 =	vld [tilespmem:s1+$0x20B0];
	v1 =	vadd.f32 v34, v1;
	v14 =	vadd.f32 v17, v14  }
0x365: {  	v17 =	vmul.f32 v30, v30;
	v0 =	vadd.f32 v33, v0;
	v2 =	vadd.f32 v22, v2;
	v22 =	vld [tilespmem:s0+$0x860]  }
0x366: {  	v25 =	vmul.f32 v25, v25;
	v19 =	vld [tilespmem:s0+$0xC40];
	v1 =	vadd.f32 v28, v1  }
0x367: {  	v28 =	vld [tilespmem:s0+$0xC20];
	v0 =	vadd.f32 v17, v0;
	v17 =	vmul.f32 v27, v27  }
0x368: {  	v1 =	vadd.f32 v25, v1;
	v25 =	vld [tilespmem:s0+$0x850]  }
0x369: {  	v26 =	vmul.f32 v31, v31;
	v17 =	vadd.f32 v17, v0;
	v0 =	vld [tilespmem:s0+$0x820]  }
0x36a: {  	v8 =	vmul.f32 v8, v8;
	v44 =	vsub.f32 v20, v21;
	v21 =	vsub.f32 v22, v47;
	v22 =	vld [tilespmem:$0x1FE40]  }
0x36b: {  	v9 =	vmul.f32 v9, v9;
	v62 =	vld [tilespmem:s0+$0xC60];
	v14 =	vadd.f32 v26, v14;
	v26 =	vmul.f32 v29, v29  }
0x36c: {  	v3 =	vmul.f32 v3, v3;
	[tilespmem:$0x1FE50] =	vst v23;
	v23 =	vld [tilespmem:s1+$0x24D0];
	v52 =	vsub.f32 v19, v39;
	v2 =	vadd.f32 v8, v2  }
0x36d: {  	v59 =	vld [tilespmem:s0+$0x800];
	v1 =	vadd.f32 v9, v1;
	v9 =	vadd.f32 v26, v14  }
0x36e: {  	v19 =	vsub.f32 v28, v51;
	v14 =	vadd.f32 v3, v2;
	v2 =	vld [tilespmem:s0+$0x440]  }
0x36f: {  	v28 =	vsub.f32 v25, v50;
	v25 =	vsub.f32 v0, v22;
	v0 =	vld [tilespmem:$0x1FE50]  }
0x370: {  	v60 =	vld [tilespmem:s0+$0x810]  }
0x371: {  	v18 =	vld [tilespmem:s0+$0xC70]  }
0x372: {  	[tilespmem:$0x1FE60] =	vst v23;
	v23 =	vld [tilespmem:s1+$0x24E0]  }
0x373: {  	v26 =	vsub.f32 v61, v40;
	v61 =	vld [tilespmem:s0+$0x450]  }
0x374: {  	v35 =	vsub.f32 v2, v0;
	v0 =	vld [tilespmem:$0x1FE60]  }
0x375: {  	v31 =	vld [tilespmem:s0+$0x840]  }
0x376: {  	v4 =	vmul.f32 v4, v4;
	v30 =	vld [tilespmem:s0+$0x870]  }
0x377: {  	[tilespmem:$0x1FE70] =	vst v23;
	v23 =	vld [tilespmem:s1+$0x24F0]  }
0x378: {  	v8 =	vadd.f32 v4, v1;
	v4 =	vsub.f32 v62, v41;
	v62 =	vld [tilespmem:s0+$0x460]  }
0x379: {  	v32 =	vsub.f32 v61, v0;
	v0 =	vld [tilespmem:$0x1FE70]  }
0x37a: {  	v29 =	vsub.f32 v63, v54;
	v63 =	vld [tilespmem:s0+$0x470]  }
0x37b: {  	v51 =	vld [tilespmem:s0+$0x400]  }
0x37c: {  	v31 =	vsub.f32 v31, v49;
	v49 =	vld [tilespmem:s0+$0x410]  }
0x37d: {  	v1 =	vld [tilespmem:s0+$0x830];
	[tilespmem:$0x1FE80] =	vst v23  }
0x37e: {  	v37 =	vsub.f32 v62, v0;
	v0 =	vld [tilespmem:$0x1FE80]  }
0x37f: {  	v23 =	vld [tilespmem:s1+$0x2480]  }
0x380: {  	v33 =	vsub.f32 v59, v45;
	v27 =	vsub.f32 v57, v55;
	v47 =	vld [tilespmem:s0+$0x420]  }
0x381: {  	v45 =	vld [tilespmem:s0+$0x430];
	v20 =	vsub.f32 v30, v48;
	v30 =	vsub.f32 v60, v46  }
0x382: {  	v3 =	vsub.f32 v18, v42;
	v18 =	vsub.f32 v58, v53;
	v42 =	vld [tilespmem:s0+$0x40]  }
0x383: {  	s31 =	simm.s32 $0x200;
	v36 =	vld [tilespmem:s0+$0x50];
	v22 =	vsub.f32 v1, v43;
	v34 =	vsub.f32 v63, v0  }
.LBB2_22:
0x384: {  	p0 =	sne.s32 s31, $0x1E00;
	v0 =	vld [tilespmem:s0+$0x10];
	v1 =	vsub.f32 v51, v23;
	v2 =	vsub.f32 v49, v24  }
0x385: {  	v23 =	vmul.f32 v44, v44;
	v38 =	vmul.f32 v52, v52;
	v24 =	vld [tilespmem:s0+$0x20];
	v16 =	vsub.f32 v47, v16  }
0x386: {  	v40 =	vmul.f32 v29, v29;
	v41 =	vmul.f32 v26, v26;
	s30 =	sadd.s32 $0x80, s30;
	v39 =	vld [tilespmem:s0+$0x30];
	v11 =	vsub.f32 v45, v11  }
0x387: {  	s1 =	sand.u32 $0x1000, s31;
	v43 =	vmul.f32 v31, v31;
	v44 =	vmul.f32 v27, v27;
	s9 =	sand.u32 $0x380, s30;
	v10 =	vsub.f32 v42, v10;
	v42 =	vld [tilespmem:s0+$0x60]  }
0x388: {  	v46 =	vmul.f32 v28, v28;
	s1 =	sor.u32 s9, s1;
	v45 =	vmul.f32 v33, v33;
	v7 =	vsub.f32 v36, v7;
	v31 =	vld [tilespmem:s0+$0x70]  }
0x389: {  	v47 =	vmul.f32 v30, v30;
	v26 =	vld [tilespmem:s1+$0x2CC0];
	v0 =	vsub.f32 v0, v15;
	v15 =	vmul.f32 v35, v35  }
0x38a: {  	v1 =	vmul.f32 v1, v1;
	v27 =	vld [tilespmem:s1+$0x2CD0];
	v12 =	vsub.f32 v24, v12;
	v24 =	vmul.f32 v32, v32  }
0x38b: {  	v2 =	vmul.f32 v2, v2;
	v10 =	vmul.f32 v10, v10;
	v28 =	vld [tilespmem:s1+$0x2CE0];
	v13 =	vsub.f32 v39, v13  }
0x38c: {  	v7 =	vmul.f32 v7, v7;
	v0 =	vmul.f32 v0, v0;
	v29 =	vld [tilespmem:s1+$0x2CF0];
	v6 =	vsub.f32 v42, v6  }
0x38d: {  	v12 =	vmul.f32 v12, v12;
	v30 =	vld [tilespmem:s1+$0x2C80];
	v13 =	vmul.f32 v13, v13;
	v5 =	vsub.f32 v31, v5  }
0x38e: {  	v9 =	vadd.f32 v23, v9;
	v0 =	vadd.f32 v0, v17;
	v31 =	vld [tilespmem:s1+$0x2C90];
	v6 =	vmul.f32 v6, v6  }
0x38f: {  	v8 =	vadd.f32 v12, v8;
	v32 =	vld [tilespmem:s1+$0x2CA0];
	v12 =	vadd.f32 v13, v14;
	v5 =	vmul.f32 v5, v5  }
0x390: {  	v9 =	vadd.f32 v10, v9;
	v0 =	vadd.f32 v7, v0;
	v7 =	vmul.f32 v16, v16;
	v33 =	vld [tilespmem:s1+$0x2CB0]  }
0x391: {  	v6 =	vadd.f32 v6, v8;
	v8 =	vmul.f32 v11, v11;
	v35 =	vld [tilespmem:s1+$0x28C0];
	v5 =	vadd.f32 v5, v12  }
0x392: {  	v1 =	vadd.f32 v1, v9;
	v0 =	vadd.f32 v2, v0;
	v2 =	vmul.f32 v37, v37;
	v36 =	vld [tilespmem:s1+$0x28D0]  }
0x393: {  	v6 =	vadd.f32 v7, v6;
	v7 =	vmul.f32 v34, v34;
	v37 =	vld [tilespmem:s1+$0x28E0];
	v5 =	vadd.f32 v8, v5  }
0x394: {  	v1 =	vadd.f32 v15, v1;
	v0 =	vadd.f32 v24, v0;
	v8 =	vmul.f32 v25, v25;
	v34 =	vld [tilespmem:s1+$0x28F0]  }
0x395: {  	v2 =	vadd.f32 v2, v6;
	v6 =	vmul.f32 v22, v22;
	v25 =	vld [tilespmem:s1+$0x2880];
	v5 =	vadd.f32 v7, v5  }
0x396: {  	v1 =	vadd.f32 v45, v1;
	v0 =	vadd.f32 v47, v0;
	v7 =	vmul.f32 v21, v21;
	v22 =	vld [tilespmem:s1+$0x2890]  }
0x397: {  	v2 =	vadd.f32 v8, v2;
	v39 =	vld [tilespmem:s1+$0x28A0];
	v5 =	vadd.f32 v6, v5;
	v6 =	vmul.f32 v20, v20  }
0x398: {  	v1 =	vadd.f32 v43, v1;
	v8 =	vmul.f32 v19, v19;
	v0 =	vadd.f32 v46, v0;
	v42 =	vld [tilespmem:s1+$0x28B0]  }
0x399: {  	v2 =	vadd.f32 v7, v2;
	v43 =	vld [tilespmem:s1+$0x24C0];
	v5 =	vadd.f32 v6, v5;
	v6 =	vmul.f32 v18, v18  }
0x39a: {  	v4 =	vmul.f32 v4, v4;
	v1 =	vadd.f32 v40, v1;
	v0 =	vadd.f32 v44, v0;
	v46 =	vld [tilespmem:s1+$0x24D0]  }
0x39b: {  	v3 =	vmul.f32 v3, v3;
	v2 =	vadd.f32 v8, v2;
	v40 =	vld [tilespmem:s1+$0x24E0];
	v5 =	vadd.f32 v6, v5  }
0x39c: {  	v9 =	vadd.f32 v38, v1;
	v17 =	vadd.f32 v41, v0;
	v48 =	vld [tilespmem:s1+$0x24F0]  }
0x39d: {  	v8 =	vadd.f32 v4, v2;
	v23 =	vld [tilespmem:s1+$0x2480];
	v14 =	vadd.f32 v3, v5  }
0x39e: {  	v24 =	vld [tilespmem:s1+$0x2490]  }
0x39f: {  	v16 =	vld [tilespmem:s1+$0x24A0]  }
0x3a0: {  	v11 =	vld [tilespmem:s1+$0x24B0]  }
0x3a1: {  	v10 =	vld [tilespmem:s1+$0x20C0]  }
0x3a2: {  	v7 =	vld [tilespmem:s1+$0x20D0]  }
0x3a3: {  	v6 =	vld [tilespmem:s1+$0x20E0]  }
0x3a4: {  	v5 =	vld [tilespmem:s1+$0x20F0]  }
0x3a5: {  	v0 =	vld [tilespmem:s1+$0x14080]  }
0x3a6: {  	v1 =	vld [tilespmem:s1+$0x2080]  }
0x3a7: {  	v15 =	vld [tilespmem:s1+$0x2090]  }
0x3a8: {  	v12 =	vld [tilespmem:s1+$0x20A0]  }
0x3a9: {  	s0 =	sadd.s32 $0x14080, s1;
	v13 =	vld [tilespmem:s1+$0x20B0]  }
0x3aa: {  	v2 =	vld [tilespmem:s0+$0xC40]  }
0x3ab: {  	v3 =	vld [tilespmem:s0+$0xC50]  }
0x3ac: {  	v4 =	vld [tilespmem:s0+$0xC60]  }
0x3ad: {  	v18 =	vld [tilespmem:s0+$0xC70]  }
0x3ae: {  	v19 =	vld [tilespmem:s0+$0xC00]  }
0x3af: {  	v20 =	vld [tilespmem:s0+$0xC10]  }
0x3b0: {  	v21 =	vld [tilespmem:s0+$0xC20]  }
0x3b1: {  	v38 =	vld [tilespmem:s0+$0xC30]  }
0x3b2: {  	v41 =	vld [tilespmem:s0+$0x840]  }
0x3b3: {  	v45 =	vld [tilespmem:s0+$0x850]  }
0x3b4: {  	v47 =	vld [tilespmem:s0+$0x860]  }
0x3b5: {  	v50 =	vld [tilespmem:s0+$0x870]  }
0x3b6: {  	v53 =	vld [tilespmem:s0+$0x800]  }
0x3b7: {  	v54 =	vld [tilespmem:s0+$0x810]  }
0x3b8: {  	v55 =	vld [tilespmem:s0+$0x820]  }
0x3b9: {  	v44 =	vsub.f32 v0, v1;
	v0 =	vld [tilespmem:s0+$0x830]  }
0x3ba: {  	v52 =	vsub.f32 v2, v26;
	v26 =	vsub.f32 v3, v27;
	v1 =	vld [tilespmem:s0+$0x440]  }
0x3bb: {  	v4 =	vsub.f32 v4, v28;
	v3 =	vsub.f32 v18, v29;
	v2 =	vld [tilespmem:s0+$0x450]  }
0x3bc: {  	v29 =	vsub.f32 v19, v30;
	v27 =	vsub.f32 v20, v31;
	v56 =	vld [tilespmem:s0+$0x460]  }
0x3bd: {  	v19 =	vsub.f32 v21, v32;
	v18 =	vsub.f32 v38, v33;
	v57 =	vld [tilespmem:s0+$0x470]  }
0x3be: {  	v31 =	vsub.f32 v41, v35;
	v28 =	vsub.f32 v45, v36;
	v51 =	vld [tilespmem:s0+$0x400]  }
.Ltmp10:
0x3bf: {  	v21 =	vsub.f32 v47, v37;
	v20 =	vsub.f32 v50, v34;
	v49 =	vld [tilespmem:s0+$0x410];
	(pc) =	sbr.rel @p0 .LBB2_22-.Ltmp10, $4  }
0x3c0: {  	v33 =	vsub.f32 v53, v25;
	v30 =	vsub.f32 v54, v22;
	v47 =	vld [tilespmem:s0+$0x420]  }
0x3c1: {  	v25 =	vsub.f32 v55, v39;
	v22 =	vsub.f32 v0, v42;
	v45 =	vld [tilespmem:s0+$0x430]  }
0x3c2: {  	v35 =	vsub.f32 v1, v43;
	v32 =	vsub.f32 v2, v46;
	v42 =	vld [tilespmem:s0+$0x40]  }
0x3c3: {  	s31 =	sadd.s32 $0x200, s31;
	v37 =	vsub.f32 v56, v40;
	v34 =	vsub.f32 v57, v48;
	v36 =	vld [tilespmem:s0+$0x50]  }
0x3c4: {  	v46 =	vmul.f32 v44, v44  }
0x3c5: {  	v0 =	vld [tilespmem:s0+$0x10];
	v38 =	vmul.f32 v52, v52;
	v29 =	vmul.f32 v29, v29  }
0x3c6: {  	v63 =	vld [tilespmem:s0+$0x20];
	v31 =	vmul.f32 v31, v31;
	v33 =	vmul.f32 v33, v33  }
0x3c7: {  	v2 =	vsub.f32 v49, v24;
	v39 =	vld [tilespmem:s0+$0x30];
	v49 =	vmul.f32 v35, v35;
	v30 =	vmul.f32 v30, v30  }
0x3c8: {  	v1 =	vsub.f32 v51, v23;
	v40 =	vld [tilespmem:s0+$0x60];
	v50 =	vmul.f32 v32, v32;
	v55 =	vmul.f32 v25, v25  }
0x3c9: {  	v56 =	vmul.f32 v22, v22;
	v57 =	vmul.f32 v28, v28;
	v16 =	vsub.f32 v47, v16  }
0x3ca: {  	v48 =	vld [tilespmem:s0+$0x70];
	v11 =	vsub.f32 v45, v11;
	v1 =	vmul.f32 v1, v1;
	v0 =	vsub.f32 v0, v15  }
0x3cb: {  	v2 =	vmul.f32 v2, v2;
	v9 =	vadd.f32 v46, v9;
	v10 =	vsub.f32 v42, v10  }
0x3cc: {  	v7 =	vsub.f32 v36, v7;
	v12 =	vsub.f32 v63, v12;
	v0 =	vmul.f32 v0, v0  }
0x3cd: {  	v13 =	vsub.f32 v39, v13;
	v10 =	vmul.f32 v10, v10;
	v6 =	vsub.f32 v40, v6  }
0x3ce: {  	v7 =	vmul.f32 v7, v7;
	v12 =	vmul.f32 v12, v12;
	v0 =	vadd.f32 v0, v17  }
0x3cf: {  	v5 =	vsub.f32 v48, v5;
	v13 =	vmul.f32 v13, v13;
	v9 =	vadd.f32 v10, v9  }
0x3d0: {  	v6 =	vmul.f32 v6, v6;
	v8 =	vadd.f32 v12, v8;
	v0 =	vadd.f32 v7, v0  }
0x3d1: {  	v5 =	vmul.f32 v5, v5;
	v51 =	vadd.f32 v13, v14;
	v1 =	vadd.f32 v1, v9  }
0x3d2: {  	v52 =	vmul.f32 v16, v16;
	v6 =	vadd.f32 v6, v8;
	v0 =	vadd.f32 v2, v0  }
0x3d3: {  	v53 =	vmul.f32 v11, v11;
	v5 =	vadd.f32 v5, v51;
	v1 =	vadd.f32 v49, v1  }
0x3d4: {  	v2 =	vmul.f32 v37, v37;
	v6 =	vadd.f32 v52, v6;
	v0 =	vadd.f32 v50, v0  }
0x3d5: {  	v54 =	vmul.f32 v34, v34;
	v5 =	vadd.f32 v53, v5;
	v1 =	vadd.f32 v33, v1  }
0x3d6: {  	v58 =	vmul.f32 v21, v21;
	v2 =	vadd.f32 v2, v6;
	v0 =	vadd.f32 v30, v0  }
0x3d7: {  	v59 =	vmul.f32 v27, v27;
	v5 =	vadd.f32 v54, v5;
	v1 =	vadd.f32 v31, v1  }
0x3d8: {  	v60 =	vmul.f32 v20, v20;
	v2 =	vadd.f32 v55, v2;
	v0 =	vadd.f32 v57, v0  }
0x3d9: {  	v61 =	vmul.f32 v19, v19;
	v5 =	vadd.f32 v56, v5;
	v1 =	vadd.f32 v29, v1  }
0x3da: {  	v62 =	vmul.f32 v26, v26;
	v2 =	vadd.f32 v58, v2;
	v0 =	vadd.f32 v59, v0  }
0x3db: {  	v63 =	vmul.f32 v18, v18;
	v5 =	vadd.f32 v60, v5;
	v1 =	vadd.f32 v38, v1  }
0x3dc: {  	v4 =	vmul.f32 v4, v4;
	v2 =	vadd.f32 v61, v2;
	v0 =	vadd.f32 v62, v0  }
0x3dd: {  	v5 =	vadd.f32 v63, v5  }
0x3de: {  	v3 =	vmul.f32 v3, v3;
	v2 =	vadd.f32 v4, v2;
	v0 =	vadd.f32 v0, v1;
	_ =	sdelay $0x1  }
0x3df: {  	v1 =	vadd.f32 v3, v5;
	v0 =	vadd.f32 v2, v0;
	_ =	sdelay $0x1  }
0x3e0: {  	v0 =	vadd.f32 v1, v0;
	_ =	sdelay $0x1  }
0x3e1: {  	v0 =	vmul.f32 $2.441406250e-04, v0  }
0x3e2: {  	s29 =	sadd.s32 $0x1, s29  }
0x3e3: {  	s31 =	simm.s32 $0x16080;
	p0 =	sne.s32 s29, s8;
	[tilespmem:$0x16080] =	vst v0  }
0x3e4: {  	[hbm4b:s7+s3] =	stream.linear.scatter [tilespmem:s31], [sflag:$0x5], $0x80, $0x38;
	[tilespmem:$0x16100] =	vst v63  }
.Ltmp11:
0x3e5: {  	_ = 	snop;
	(pc) =	sbr.rel @p0 .LBB2_1-.Ltmp11, $4  }
0x3e6: {  	_ =	swait.ge [sflag:s10], $0x80  }
0x3e7: {  	v0 =	vld [tilespmem:$0x1FFD0]  }
0x3e8: {  	[sflag:s10] =	ssyncset.done $0x0;
	v1 =	vld [tilespmem:$0x1FFE0]  }
0x3e9: {  	v2 =	vld [tilespmem:$0x1FFF0];
	[sflag:s10] =	ssyncadd.s32 $0xFFFFFF80  }
0x3ea: {  	_ =	sfence.sel $0x180000  }
0x3eb: {  	[bflag:$0x0] =	sbarrier.arrive $0xFFFF  }
0x3ec: {  	_ =	strace $0x90000047  }
0x3ed: {  	s0 =	stileid.u32;
	[bflag:$0x2] =	sbarrier.arrive $0xFFFF  }
0x3ee: {  	p0 =	sne.s32 s0, $0x0;
	s0 =	rddreg [dreg:$0x4]  }
0x3ef: {  	s0 =	sadd.s32 @!p0 $0x100000, s0  }
0x3f0: {  	[sflag:s0] =	ssyncadd.tile.s32 @!p0 $0x1;
	_ =	shalt  }
.Lfunc_end2:
_tile_overlayer_lowered:
.L_overlay_start_2:
0x3f1: {  	(tag) =	ssettag $0x2  }
0x3f2: {  	s0 =	rddreg [dreg:$0x0];
	s2 =	stileid.u32  }
0x3f3: {  	s1 =	rddreg [dreg:$0x1];
	p0 =	sne.s32 s2, $0x0  }
0x3f4: {  	s3 =	rddreg [dreg:$0x2];
	[bflag:$0x3] =	sbarrier.arrive $0xFFFF;
	s2 =	simm.s32 @!p0 $0x1C05  }
0x3f5: {  	[timem:s3], [sflag:s2] =	dma.local @!p0 [hbm:s0], s1  }
0x3f6: {  	s0 =	simm.s32 @!p0 $0x5  }
0x3f7: {  	_ =	swait.ge @!p0 [sflag:s0], s1  }
0x3f8: {  	s1 =	ssub.s32 @!p0 $0x0, s1;
	[sflag:s0] =	ssyncset.done @!p0 $0x0  }
0x3f9: {  	[sflag:s0] =	ssyncadd.s32 @!p0 s1  }
0x3fa: {  	[bflag:$0x3] =	sbarrier.arrive $0xFFFF  }
0x3fb: {  	_ =	shalt  }

</sc_bundles>
